<compile_context>
chip_gen: v7x
topology: tpu7x:2x2x1
jax: 0.10.2.dev20260603
libtpu: 0.0.44.dev20260713+nightly
codegen_flags: <defaults>
</compile_context>

<pallas_src>
import functools

import jax
import jax.numpy as jnp
from jax import lax
from jax.experimental import pallas as pl
from jax.experimental.pallas import tpu as pltpu
from jax.experimental.pallas import tpu_sc as plsc

B, S, D = 16, 4096, 1024
NC, NS, LANES = 2, 16, 16
NW = NC * NS
ROWS_PER_W = (B * S) // NW
CH = 16
NCHUNK = ROWS_PER_W // CH
NBUF = 3


def _make_sc_reverse():
    mesh = plsc.VectorSubcoreMesh(core_axis_name="c", subcore_axis_name="s")

    @functools.partial(
        pl.kernel,
        mesh=mesh,
        out_type=jax.ShapeDtypeStruct((B * S, D), jnp.float32),
        scratch_types=[
            pltpu.VMEM((B * LANES,), jnp.int32),
            pltpu.VMEM((ROWS_PER_W,), jnp.int32),
            pltpu.VMEM((NBUF, CH, D), jnp.float32),
            pltpu.VMEM_SHARED((NS, NBUF, CH, D), jnp.float32),
            pltpu.SemaphoreType.DMA((NBUF,)),
            pltpu.SemaphoreType.DMA((NBUF,)),
            pltpu.SemaphoreType.DMA((NBUF,)),
            pltpu.SemaphoreType.DMA((NBUF,)),
        ],
    )
    def k(x_hbm, len_hbm, out_hbm, len_v, idx_v, vbuf, sbuf_all,
          sgv, ssv, sgs, sss):
        sid = lax.axis_index("s")
        sbuf = sbuf_all.at[sid]
        wid = sid * NC + lax.axis_index("c")
        b = wid // 2
        s_base = (wid % 2) * ROWS_PER_W
        row0 = b * S

        pltpu.sync_copy(len_hbm, len_v)
        lvec = len_v[pl.ds(b * LANES, LANES)][0]
        out0 = row0 + s_base

        d_rows = jnp.maximum(lvec - s_base, 0)
        n_rev = jnp.minimum((d_rows + CH - 1) // CH, NCHUNK)
        n_id = NCHUNK - n_rev

        def build(cc):
            for r in range(CH // LANES):
                p = s_base + cc * CH + r * LANES + lax.iota(jnp.int32, LANES)
                src = jnp.where(p < lvec, lvec - 1 - p, p) + row0
                idx_v[pl.ds(cc * CH + r * LANES, LANES)] = src

        def g_rev(c):
            j = c % NBUF
            return pltpu.make_async_copy(
                x_hbm.at[idx_v.at[pl.ds(c * CH, CH)]], vbuf.at[j], sgv.at[j])

        def s_rev(c):
            j = c % NBUF
            return pltpu.make_async_copy(
                vbuf.at[j], out_hbm.at[pl.ds(out0 + c * CH, CH)], ssv.at[j])

        def g_id(t, c):
            j = t % NBUF
            return pltpu.make_async_copy(
                x_hbm.at[pl.ds(out0 + c * CH, CH)], sbuf.at[j], sgs.at[j])

        def s_id(t, c):
            j = t % NBUF
            return pltpu.make_async_copy(
                sbuf.at[j], out_hbm.at[pl.ds(out0 + c * CH, CH)], sss.at[j])

        def a_start(t):
            @pl.when(t < n_rev)
            def _():
                build(t)
                g_rev(t).start()

        def b_start(t):
            @pl.when(t < n_id)
            def _():
                g_id(t, NCHUNK - 1 - t).start()

        a_start(0)
        b_start(0)
        a_start(1)
        b_start(1)

        def step(t, _):
            @pl.when(t < n_rev)
            def _():
                g_rev(t).wait()
                s_rev(t).start()

            @pl.when(t < n_id)
            def _():
                g_id(t, NCHUNK - 1 - t).wait()
                s_id(t, NCHUNK - 1 - t).start()

            @pl.when(jnp.logical_and(t >= 1, t <= n_rev))
            def _():
                s_rev(t - 1).wait()

            @pl.when(jnp.logical_and(t >= 1, t <= n_id))
            def _():
                s_id(t - 1, NCHUNK - t).wait()

            a_start(t + 2)
            b_start(t + 2)
            return 0

        lax.fori_loop(0, NCHUNK, step, 0)

        @pl.when(n_rev >= NCHUNK)
        def _():
            s_rev(NCHUNK - 1).wait()

        @pl.when(n_id >= NCHUNK)
        def _():
            s_id(NCHUNK - 1, 0).wait()

    return k


def kernel(x, seq_lengths):
    x2 = x.reshape(B * S, D)
    lens = jnp.repeat(seq_lengths.astype(jnp.int32), LANES)
    out = _make_sc_reverse()(x2, lens)
    return out.reshape(B, S, D)

# --- scband reference (transcript-rebuilt; emitter-appended) ---
"""Pipeline reference for scband-model-60713657697018 (READ-ONLY COPY).

The authoritative reference and input builder live on the scoring server;
editing this copy changes nothing except your own understanding.
"""

import jax, jax.numpy as jnp
import numpy as np

def setup_inputs(seed: int = 0) -> dict:
    key = jax.random.key(seed)
    k1, k2 = jax.random.split(key)
    x = jax.random.normal(k1, (16, 4096, 1024), dtype=jnp.float32)
    seq_lengths = jax.random.randint(k2, (16,), 0, 4096, dtype=jnp.int64) if jax.config.jax_enable_x64 else jax.random.randint(k2, (16,), 0, 4096).astype(jnp.int32)
    return {"x": x, "seq_lengths": seq_lengths}

def reference(x, seq_lengths):
    # Reverse each sequence along seq_dim=1 up to its length; keep padding positions untouched.
    B, S, D = x.shape
    pos = jnp.arange(S)[None, :]                      # [1, S]
    lens = seq_lengths[:, None].astype(pos.dtype)      # [B, 1]
    # gather index: for positions within the valid length, read from the mirrored
    # position (len-1-pos); beyond the length, read identity (pos).
    idx = jnp.where(pos < lens, lens - 1 - pos, pos)   # [B, S]
    out = jnp.take_along_axis(x, idx[:, :, None], axis=1)
    return out

if __name__ == "__main__":
    import jax
    _d = setup_inputs()
    print(jax.jit(kernel)(*tuple(_d.values())))

</pallas_src>

<mosaic_0001>
#map = affine_map<(d0, d1) -> (0, 0)>
#map1 = affine_map<(d0, d1) -> (0)>
module attributes {stable_mosaic.version = 14 : i64} {
  func.func @k(%arg0: i32, %arg1: i32, %arg2: memref<65536x1024xf32, #tpu.memory_space<hbm>>, %arg3: memref<256xi32, #tpu.memory_space<hbm>>, %arg4: memref<65536x1024xf32, #tpu.memory_space<hbm>>, %arg5: memref<256xi32, #tpu.memory_space<vmem>>, %arg6: memref<2048xi32, #tpu.memory_space<vmem>>, %arg7: memref<3x16x1024xf32, #tpu.memory_space<vmem>>, %arg8: memref<16x3x16x1024xf32, #tpu.memory_space<vmem_shared>>, %arg9: memref<3x!tpu.dma_semaphore, #tpu.memory_space<semaphore_mem>>, %arg10: memref<3x!tpu.dma_semaphore, #tpu.memory_space<semaphore_mem>>, %arg11: memref<3x!tpu.dma_semaphore, #tpu.memory_space<semaphore_mem>>, %arg12: memref<3x!tpu.dma_semaphore, #tpu.memory_space<semaphore_mem>>) attributes {dimension_semantics = [#tpu.dimension_semantics<core_parallel>, #tpu.dimension_semantics<subcore_parallel>], iteration_bounds = array<i64: 2, 16>, scalar_prefetch = 0 : i64, scratch_operands = 8 : i64, tpu.core_type = #tpu.core_type<sc_vector_subcore>, window_params = [{transform_indices = #map}, {transform_indices = #map1}, {transform_indices = #map}]} {
    %mul3A = arith.constant 2 : i32
    %mul3A_0 = arith.muli %arg1, %mul3A : i32
    %add3A = arith.addi %mul3A_0, %arg0 : i32
    %jit3A = arith.constant 2 : i32
    %div3A = arith.divsi %add3A, %jit3A : i32
    %sign3A = arith.constant 0 : i32
    %sign3A_1 = arith.cmpi sgt, %add3A, %sign3A : i32
    %sign3A_2 = arith.extui %sign3A_1 : i1 to i32
    %sign3A_3 = arith.constant 0 : i32
    %sign3A_4 = arith.cmpi slt, %add3A, %sign3A_3 : i32
    %sign3A_5 = arith.extui %sign3A_4 : i1 to i32
    %sign3A_6 = arith.subi %sign3A_2, %sign3A_5 : i32
    %sign3A_7 = arith.constant 0 : i32
    %sign3A_8 = arith.cmpi sgt, %jit3A, %sign3A_7 : i32
    %sign3A_9 = arith.extui %sign3A_8 : i1 to i32
    %sign3A_10 = arith.constant 0 : i32
    %sign3A_11 = arith.cmpi slt, %jit3A, %sign3A_10 : i32
    %sign3A_12 = arith.extui %sign3A_11 : i1 to i32
    %sign3A_13 = arith.subi %sign3A_9, %sign3A_12 : i32
    %ne3A = arith.cmpi ne, %sign3A_6, %sign3A_13 : i32
    %rem3A = arith.remsi %add3A, %jit3A : i32
    %ne3A_14 = arith.constant 0 : i32
    %ne3A_15 = arith.cmpi ne, %rem3A, %ne3A_14 : i32
    %and3A = arith.andi %ne3A, %ne3A_15 : i1
    %sub3A = arith.constant 1 : i32
    %sub3A_16 = arith.subi %div3A, %sub3A : i32
    %select_n3A = arith.select %and3A, %sub3A_16, %div3A : i32
    %jit3A_17 = arith.constant 2 : i32
    %eq3A = arith.constant 0 : i32
    %eq3A_18 = arith.cmpi eq, %jit3A_17, %eq3A : i32
    %jit3A_19 = arith.constant 1 : i32
    %select_n3A_20 = arith.select %eq3A_18, %jit3A_19, %jit3A_17 : i32
    %rem3A_21 = arith.remsi %add3A, %select_n3A_20 : i32
    %ne3A_22 = arith.constant 0 : i32
    %ne3A_23 = arith.cmpi ne, %rem3A_21, %ne3A_22 : i32
    %lt3A = arith.constant 0 : i32
    %lt3A_24 = arith.cmpi slt, %rem3A_21, %lt3A : i32
    %lt3A_25 = arith.constant 0 : i32
    %lt3A_26 = arith.cmpi slt, %select_n3A_20, %lt3A_25 : i32
    %ne3A_27 = arith.xori %lt3A_24, %lt3A_26 : i1
    %and3A_28 = arith.andi %ne3A_27, %ne3A_23 : i1
    %add3A_29 = arith.addi %rem3A_21, %select_n3A_20 : i32
    %select_n3A_30 = arith.select %and3A_28, %add3A_29, %rem3A_21 : i32
    %mul3A_31 = arith.constant 2048 : i32
    %mul3A_32 = arith.muli %select_n3A_30, %mul3A_31 : i32
    %mul3A_33 = arith.constant 4096 : i32
    %mul3A_34 = arith.muli %select_n3A, %mul3A_33 : i32
    "tpu.region"() ({
      %run_scoped3A = tpu.sem_alloc : memref<!tpu.dma_semaphore, #tpu.memory_space<semaphore_mem>>
      tpu.enqueue_dma source(%arg3 : memref<256xi32, #tpu.memory_space<hbm>>) target(%arg5 : memref<256xi32, #tpu.memory_space<vmem>>) target_semaphore(%run_scoped3A : memref<!tpu.dma_semaphore, #tpu.memory_space<semaphore_mem>>)
      tpu.wait_dma2 semaphore(%run_scoped3A : memref<!tpu.dma_semaphore, #tpu.memory_space<semaphore_mem>>) src(%arg3 : memref<256xi32, #tpu.memory_space<hbm>>) dst(%arg5 : memref<256xi32, #tpu.memory_space<vmem>>)
      tpu.yield
    }) : () -> ()
    %mul3A_35 = arith.constant 16 : i32
    %mul3A_36 = arith.muli %select_n3A, %mul3A_35 : i32
    %get3A = arith.index_cast %mul3A_36 : i32 to index
    %get3A_37 = tpu.vector_load %arg5[%get3A] {strides = array<i32>} : memref<256xi32, #tpu.memory_space<vmem>>, vector<16xi32>,
    %get3A_38 = vector.shape_cast %get3A_37 : vector<16xi32> to vector<16xi32>
    %slice3A = vector.extract_strided_slice %get3A_38 {offsets = [0], sizes = [1], strides = [1]} : vector<16xi32> to vector<1xi32>
    %squeeze3A = vector.extract %slice3A[0] : i32 from vector<1xi32>
    %add3A_39 = arith.addi %mul3A_34, %mul3A_32 : i32
    %sub3A_40 = arith.subi %squeeze3A, %mul3A_32 : i32
    %max3A = arith.constant 0 : i32
    %max3A_41 = arith.maxsi %sub3A_40, %max3A : i32
    %add3A_42 = arith.constant 16 : i32
    %add3A_43 = arith.addi %max3A_41, %add3A_42 : i32
    %sub3A_44 = arith.constant 1 : i32
    %sub3A_45 = arith.subi %add3A_43, %sub3A_44 : i32
    %jit3A_46 = arith.constant 16 : i32
    %div3A_47 = arith.divsi %sub3A_45, %jit3A_46 : i32
    %sign3A_48 = arith.constant 0 : i32
    %sign3A_49 = arith.cmpi sgt, %sub3A_45, %sign3A_48 : i32
    %sign3A_50 = arith.extui %sign3A_49 : i1 to i32
    %sign3A_51 = arith.constant 0 : i32
    %sign3A_52 = arith.cmpi slt, %sub3A_45, %sign3A_51 : i32
    %sign3A_53 = arith.extui %sign3A_52 : i1 to i32
    %sign3A_54 = arith.subi %sign3A_50, %sign3A_53 : i32
    %sign3A_55 = arith.constant 0 : i32
    %sign3A_56 = arith.cmpi sgt, %jit3A_46, %sign3A_55 : i32
    %sign3A_57 = arith.extui %sign3A_56 : i1 to i32
    %sign3A_58 = arith.constant 0 : i32
    %sign3A_59 = arith.cmpi slt, %jit3A_46, %sign3A_58 : i32
    %sign3A_60 = arith.extui %sign3A_59 : i1 to i32
    %sign3A_61 = arith.subi %sign3A_57, %sign3A_60 : i32
    %ne3A_62 = arith.cmpi ne, %sign3A_54, %sign3A_61 : i32
    %rem3A_63 = arith.remsi %sub3A_45, %jit3A_46 : i32
    %ne3A_64 = arith.constant 0 : i32
    %ne3A_65 = arith.cmpi ne, %rem3A_63, %ne3A_64 : i32
    %and3A_66 = arith.andi %ne3A_62, %ne3A_65 : i1
    %sub3A_67 = arith.constant 1 : i32
    %sub3A_68 = arith.subi %div3A_47, %sub3A_67 : i32
    %select_n3A_69 = arith.select %and3A_66, %sub3A_68, %div3A_47 : i32
    %min3A = arith.constant 128 : i32
    %min3A_70 = arith.minsi %select_n3A_69, %min3A : i32
    %sub3A_71 = arith.constant 128 : i32
    %sub3A_72 = arith.subi %sub3A_71, %min3A_70 : i32
    %gt3A = arith.constant 0 : i32
    %gt3A_73 = arith.cmpi sgt, %min3A_70, %gt3A : i32
    %convert_element_type3A = arith.extui %gt3A_73 : i1 to i32
    %cond3A = arith.constant 0 : i32
    %cond3A_74 = arith.cmpi ne, %convert_element_type3A, %cond3A : i32
    scf.if %cond3A_74 {
      %add3A_105 = arith.constant 0 : i32
      %add3A_106 = arith.addi %mul3A_32, %add3A_105 : i32
      %add3A_107 = arith.constant 0 : i32
      %add3A_108 = arith.addi %add3A_106, %add3A_107 : i32
      %iota3A = tpu.iota {dimensions = array<i32: 0>} : vector<16xi32>
      %add3A_109 = vector.broadcast %add3A_108 : i32 to vector<16xi32>
      %add3A_110 = arith.addi %add3A_109, %iota3A : vector<16xi32>
      %lt3A_111 = vector.broadcast %squeeze3A : i32 to vector<16xi32>
      %lt3A_112 = arith.cmpi slt, %add3A_110, %lt3A_111 : vector<16xi32>
      %sub3A_113 = arith.constant 1 : i32
      %sub3A_114 = arith.subi %squeeze3A, %sub3A_113 : i32
      %sub3A_115 = vector.broadcast %sub3A_114 : i32 to vector<16xi32>
      %sub3A_116 = arith.subi %sub3A_115, %add3A_110 : vector<16xi32>
      %select_n3A_117 = arith.select %lt3A_112, %sub3A_116, %add3A_110 : vector<16xi1>, vector<16xi32>
      %add3A_118 = vector.broadcast %mul3A_34 : i32 to vector<16xi32>
      %add3A_119 = arith.addi %select_n3A_117, %add3A_118 : vector<16xi32>
      %swap3A = arith.constant 0 : index
      %swap3A_120 = tpu.vector_load %arg6[%swap3A] {strides = array<i32>} : memref<2048xi32, #tpu.memory_space<vmem>>, vector<16xi32>,
      %swap3A_121 = vector.shape_cast %swap3A_120 : vector<16xi32> to vector<16xi32>
      %swap3A_122 = vector.shape_cast %add3A_119 : vector<16xi32> to vector<16xi32>
      tpu.vector_store %arg6[%swap3A], %swap3A_122 {strides = array<i32>} : memref<2048xi32, #tpu.memory_space<vmem>>, vector<16xi32>,
      %dma_start3A = arith.constant 0 : i32
      %dma_start3A_123 = arith.constant 0 : i32
      %dma_start3A_124 = arith.constant 0 : i32
      %dma_start3A_125 = arith.constant 0 : i32
      %dma_start3A_126 = tpu.memref_slice %arg7[%dma_start3A, %dma_start3A_124, %dma_start3A_125] : memref<3x16x1024xf32, #tpu.memory_space<vmem>> -> memref<1x16x1024xf32, #tpu.memory_space<vmem>>
      %dma_start3A_127 = tpu.memref_squeeze %dma_start3A_126 : memref<1x16x1024xf32, #tpu.memory_space<vmem>> -> memref<16x1024xf32, #tpu.memory_space<vmem>>
      %dma_start3A_128 = arith.constant 0 : i32
      %dma_start3A_129 = tpu.memref_slice %arg6[%dma_start3A_128] : memref<2048xi32, #tpu.memory_space<vmem>> -> memref<16xi32, #tpu.memory_space<vmem>>
      %dma_start3A_130 = arith.constant 0 : i32
      %dma_start3A_131 = arith.constant 0 : i32
      %dma_start3A_132 = tpu.memref_slice %arg2[%dma_start3A_130, %dma_start3A_131] : memref<65536x1024xf32, #tpu.memory_space<hbm>> -> memref<65536x1024xf32, #tpu.memory_space<hbm>>
      %dma_start3A_133 = tpu.memref_slice %arg9[%dma_start3A_123] : memref<3x!tpu.dma_semaphore, #tpu.memory_space<semaphore_mem>> -> memref<1x!tpu.dma_semaphore, #tpu.memory_space<semaphore_mem>>
      %dma_start3A_134 = tpu.memref_squeeze %dma_start3A_133 : memref<1x!tpu.dma_semaphore, #tpu.memory_space<semaphore_mem>> -> memref<!tpu.dma_semaphore, #tpu.memory_space<semaphore_mem>>
      tpu.enqueue_indirect_dma source(%dma_start3A_132 : memref<65536x1024xf32, #tpu.memory_space<hbm>>) target(%dma_start3A_127 : memref<16x1024xf32, #tpu.memory_space<vmem>>) offsets(%dma_start3A_129 : memref<16xi32, #tpu.memory_space<vmem>>) semaphore(%dma_start3A_134 : memref<!tpu.dma_semaphore, #tpu.memory_space<semaphore_mem>>)
    } else {
    }
    %gt3A_75 = arith.constant 0 : i32
    %gt3A_76 = arith.cmpi sgt, %sub3A_72, %gt3A_75 : i32
    %convert_element_type3A_77 = arith.extui %gt3A_76 : i1 to i32
    %cond3A_78 = arith.constant 0 : i32
    %cond3A_79 = arith.cmpi ne, %convert_element_type3A_77, %cond3A_78 : i32
    scf.if %cond3A_79 {
      %add3A_105 = arith.constant 2032 : i32
      %add3A_106 = arith.addi %add3A_39, %add3A_105 : i32
      %dma_start3A = arith.constant 0 : i32
      %dma_start3A_107 = arith.constant 0 : i32
      %dma_start3A_108 = tpu.memref_slice %arg11[%dma_start3A_107] : memref<3x!tpu.dma_semaphore, #tpu.memory_space<semaphore_mem>> -> memref<1x!tpu.dma_semaphore, #tpu.memory_space<semaphore_mem>>
      %dma_start3A_109 = tpu.memref_squeeze %dma_start3A_108 : memref<1x!tpu.dma_semaphore, #tpu.memory_space<semaphore_mem>> -> memref<!tpu.dma_semaphore, #tpu.memory_space<semaphore_mem>>
      %dma_start3A_110 = arith.constant 0 : i32
      %dma_start3A_111 = arith.constant 0 : i32
      %dma_start3A_112 = arith.constant 0 : i32
      %dma_start3A_113 = tpu.memref_slice %arg8[%arg1, %dma_start3A_110, %dma_start3A_111, %dma_start3A_112] : memref<16x3x16x1024xf32, #tpu.memory_space<vmem_shared>> -> memref<1x3x16x1024xf32, #tpu.memory_space<vmem_shared>>
      %dma_start3A_114 = tpu.memref_squeeze %dma_start3A_113 : memref<1x3x16x1024xf32, #tpu.memory_space<vmem_shared>> -> memref<3x16x1024xf32, #tpu.memory_space<vmem_shared>>
      %dma_start3A_115 = arith.constant 0 : i32
      %dma_start3A_116 = arith.constant 0 : i32
      %dma_start3A_117 = tpu.memref_slice %dma_start3A_114[%dma_start3A, %dma_start3A_115, %dma_start3A_116] : memref<3x16x1024xf32, #tpu.memory_space<vmem_shared>> -> memref<1x16x1024xf32, #tpu.memory_space<vmem_shared>>
      %dma_start3A_118 = tpu.memref_squeeze %dma_start3A_117 : memref<1x16x1024xf32, #tpu.memory_space<vmem_shared>> -> memref<16x1024xf32, #tpu.memory_space<vmem_shared>>
      %dma_start3A_119 = arith.constant 0 : i32
      %dma_start3A_120 = tpu.memref_slice %arg2[%add3A_106, %dma_start3A_119] : memref<65536x1024xf32, #tpu.memory_space<hbm>> -> memref<16x1024xf32, #tpu.memory_space<hbm>>
      tpu.enqueue_dma source(%dma_start3A_120 : memref<16x1024xf32, #tpu.memory_space<hbm>>) target(%dma_start3A_118 : memref<16x1024xf32, #tpu.memory_space<vmem_shared>>) target_semaphore(%dma_start3A_109 : memref<!tpu.dma_semaphore, #tpu.memory_space<semaphore_mem>>)
    } else {
    }
    %gt3A_80 = arith.constant 1 : i32
    %gt3A_81 = arith.cmpi sgt, %min3A_70, %gt3A_80 : i32
    %convert_element_type3A_82 = arith.extui %gt3A_81 : i1 to i32
    %cond3A_83 = arith.constant 0 : i32
    %cond3A_84 = arith.cmpi ne, %convert_element_type3A_82, %cond3A_83 : i32
    scf.if %cond3A_84 {
      %add3A_105 = arith.constant 16 : i32
      %add3A_106 = arith.addi %mul3A_32, %add3A_105 : i32
      %add3A_107 = arith.constant 0 : i32
      %add3A_108 = arith.addi %add3A_106, %add3A_107 : i32
      %iota3A = tpu.iota {dimensions = array<i32: 0>} : vector<16xi32>
      %add3A_109 = vector.broadcast %add3A_108 : i32 to vector<16xi32>
      %add3A_110 = arith.addi %add3A_109, %iota3A : vector<16xi32>
      %lt3A_111 = vector.broadcast %squeeze3A : i32 to vector<16xi32>
      %lt3A_112 = arith.cmpi slt, %add3A_110, %lt3A_111 : vector<16xi32>
      %sub3A_113 = arith.constant 1 : i32
      %sub3A_114 = arith.subi %squeeze3A, %sub3A_113 : i32
      %sub3A_115 = vector.broadcast %sub3A_114 : i32 to vector<16xi32>
      %sub3A_116 = arith.subi %sub3A_115, %add3A_110 : vector<16xi32>
      %select_n3A_117 = arith.select %lt3A_112, %sub3A_116, %add3A_110 : vector<16xi1>, vector<16xi32>
      %add3A_118 = vector.broadcast %mul3A_34 : i32 to vector<16xi32>
      %add3A_119 = arith.addi %select_n3A_117, %add3A_118 : vector<16xi32>
      %swap3A = arith.constant 16 : index
      %swap3A_120 = tpu.vector_load %arg6[%swap3A] {strides = array<i32>} : memref<2048xi32, #tpu.memory_space<vmem>>, vector<16xi32>,
      %swap3A_121 = vector.shape_cast %swap3A_120 : vector<16xi32> to vector<16xi32>
      %swap3A_122 = vector.shape_cast %add3A_119 : vector<16xi32> to vector<16xi32>
      tpu.vector_store %arg6[%swap3A], %swap3A_122 {strides = array<i32>} : memref<2048xi32, #tpu.memory_space<vmem>>, vector<16xi32>,
      %dma_start3A = arith.constant 1 : i32
      %dma_start3A_123 = arith.constant 1 : i32
      %dma_start3A_124 = arith.constant 0 : i32
      %dma_start3A_125 = arith.constant 0 : i32
      %dma_start3A_126 = tpu.memref_slice %arg7[%dma_start3A, %dma_start3A_124, %dma_start3A_125] : memref<3x16x1024xf32, #tpu.memory_space<vmem>> -> memref<1x16x1024xf32, #tpu.memory_space<vmem>>
      %dma_start3A_127 = tpu.memref_squeeze %dma_start3A_126 : memref<1x16x1024xf32, #tpu.memory_space<vmem>> -> memref<16x1024xf32, #tpu.memory_space<vmem>>
      %dma_start3A_128 = arith.constant 16 : i32
      %dma_start3A_129 = tpu.memref_slice %arg6[%dma_start3A_128] : memref<2048xi32, #tpu.memory_space<vmem>> -> memref<16xi32, #tpu.memory_space<vmem>>
      %dma_start3A_130 = arith.constant 0 : i32
      %dma_start3A_131 = arith.constant 0 : i32
      %dma_start3A_132 = tpu.memref_slice %arg2[%dma_start3A_130, %dma_start3A_131] : memref<65536x1024xf32, #tpu.memory_space<hbm>> -> memref<65536x1024xf32, #tpu.memory_space<hbm>>
      %dma_start3A_133 = tpu.memref_slice %arg9[%dma_start3A_123] : memref<3x!tpu.dma_semaphore, #tpu.memory_space<semaphore_mem>> -> memref<1x!tpu.dma_semaphore, #tpu.memory_space<semaphore_mem>>
      %dma_start3A_134 = tpu.memref_squeeze %dma_start3A_133 : memref<1x!tpu.dma_semaphore, #tpu.memory_space<semaphore_mem>> -> memref<!tpu.dma_semaphore, #tpu.memory_space<semaphore_mem>>
      tpu.enqueue_indirect_dma source(%dma_start3A_132 : memref<65536x1024xf32, #tpu.memory_space<hbm>>) target(%dma_start3A_127 : memref<16x1024xf32, #tpu.memory_space<vmem>>) offsets(%dma_start3A_129 : memref<16xi32, #tpu.memory_space<vmem>>) semaphore(%dma_start3A_134 : memref<!tpu.dma_semaphore, #tpu.memory_space<semaphore_mem>>)
    } else {
    }
    %gt3A_85 = arith.constant 1 : i32
    %gt3A_86 = arith.cmpi sgt, %sub3A_72, %gt3A_85 : i32
    %convert_element_type3A_87 = arith.extui %gt3A_86 : i1 to i32
    %cond3A_88 = arith.constant 0 : i32
    %cond3A_89 = arith.cmpi ne, %convert_element_type3A_87, %cond3A_88 : i32
    scf.if %cond3A_89 {
      %add3A_105 = arith.constant 2016 : i32
      %add3A_106 = arith.addi %add3A_39, %add3A_105 : i32
      %dma_start3A = arith.constant 1 : i32
      %dma_start3A_107 = arith.constant 1 : i32
      %dma_start3A_108 = tpu.memref_slice %arg11[%dma_start3A_107] : memref<3x!tpu.dma_semaphore, #tpu.memory_space<semaphore_mem>> -> memref<1x!tpu.dma_semaphore, #tpu.memory_space<semaphore_mem>>
      %dma_start3A_109 = tpu.memref_squeeze %dma_start3A_108 : memref<1x!tpu.dma_semaphore, #tpu.memory_space<semaphore_mem>> -> memref<!tpu.dma_semaphore, #tpu.memory_space<semaphore_mem>>
      %dma_start3A_110 = arith.constant 0 : i32
      %dma_start3A_111 = arith.constant 0 : i32
      %dma_start3A_112 = arith.constant 0 : i32
      %dma_start3A_113 = tpu.memref_slice %arg8[%arg1, %dma_start3A_110, %dma_start3A_111, %dma_start3A_112] : memref<16x3x16x1024xf32, #tpu.memory_space<vmem_shared>> -> memref<1x3x16x1024xf32, #tpu.memory_space<vmem_shared>>
      %dma_start3A_114 = tpu.memref_squeeze %dma_start3A_113 : memref<1x3x16x1024xf32, #tpu.memory_space<vmem_shared>> -> memref<3x16x1024xf32, #tpu.memory_space<vmem_shared>>
      %dma_start3A_115 = arith.constant 0 : i32
      %dma_start3A_116 = arith.constant 0 : i32
      %dma_start3A_117 = tpu.memref_slice %dma_start3A_114[%dma_start3A, %dma_start3A_115, %dma_start3A_116] : memref<3x16x1024xf32, #tpu.memory_space<vmem_shared>> -> memref<1x16x1024xf32, #tpu.memory_space<vmem_shared>>
      %dma_start3A_118 = tpu.memref_squeeze %dma_start3A_117 : memref<1x16x1024xf32, #tpu.memory_space<vmem_shared>> -> memref<16x1024xf32, #tpu.memory_space<vmem_shared>>
      %dma_start3A_119 = arith.constant 0 : i32
      %dma_start3A_120 = tpu.memref_slice %arg2[%add3A_106, %dma_start3A_119] : memref<65536x1024xf32, #tpu.memory_space<hbm>> -> memref<16x1024xf32, #tpu.memory_space<hbm>>
      tpu.enqueue_dma source(%dma_start3A_120 : memref<16x1024xf32, #tpu.memory_space<hbm>>) target(%dma_start3A_118 : memref<16x1024xf32, #tpu.memory_space<vmem_shared>>) target_semaphore(%dma_start3A_109 : memref<!tpu.dma_semaphore, #tpu.memory_space<semaphore_mem>>)
    } else {
    }
    %scan3A = arith.constant 0 : i32
    %scan3A_90 = arith.constant 0 : i32
    %scan3A_91 = arith.constant 128 : i32
    %scan3A_92 = arith.addi %scan3A_90, %scan3A_91 : i32
    %scan3A_93 = arith.constant 1 : i32
    %scan3A_94 = scf.for %scan3A_105 = %scan3A_90 to %scan3A_92 step %scan3A_93 iter_args(%scan3A_106 = %scan3A) -> (i32)  : i32 {
      %lt3A_107 = arith.cmpi slt, %scan3A_105, %min3A_70 : i32
      %convert_element_type3A_108 = arith.extui %lt3A_107 : i1 to i32
      %cond3A_109 = arith.constant 0 : i32
      %cond3A_110 = arith.cmpi ne, %convert_element_type3A_108, %cond3A_109 : i32
      scf.if %cond3A_110 {
        %jit3A_141 = arith.constant 3 : i32
        %eq3A_142 = arith.constant 0 : i32
        %eq3A_143 = arith.cmpi eq, %jit3A_141, %eq3A_142 : i32
        %jit3A_144 = arith.constant 1 : i32
        %select_n3A_145 = arith.select %eq3A_143, %jit3A_144, %jit3A_141 : i32
        %rem3A_146 = arith.remsi %scan3A_105, %select_n3A_145 : i32
        %ne3A_147 = arith.constant 0 : i32
        %ne3A_148 = arith.cmpi ne, %rem3A_146, %ne3A_147 : i32
        %lt3A_149 = arith.constant 0 : i32
        %lt3A_150 = arith.cmpi slt, %rem3A_146, %lt3A_149 : i32
        %lt3A_151 = arith.constant 0 : i32
        %lt3A_152 = arith.cmpi slt, %select_n3A_145, %lt3A_151 : i32
        %ne3A_153 = arith.xori %lt3A_150, %lt3A_152 : i1
        %and3A_154 = arith.andi %ne3A_153, %ne3A_148 : i1
        %add3A_155 = arith.addi %rem3A_146, %select_n3A_145 : i32
        %select_n3A_156 = arith.select %and3A_154, %add3A_155, %rem3A_146 : i32
        %mul3A_157 = arith.constant 16 : i32
        %mul3A_158 = arith.muli %scan3A_105, %mul3A_157 : i32
        %dma_wait3A = arith.constant 0 : i32
        %dma_wait3A_159 = arith.constant 0 : i32
        %dma_wait3A_160 = tpu.memref_slice %arg7[%select_n3A_156, %dma_wait3A, %dma_wait3A_159] : memref<3x16x1024xf32, #tpu.memory_space<vmem>> -> memref<1x16x1024xf32, #tpu.memory_space<vmem>>
        %dma_wait3A_161 = tpu.memref_squeeze %dma_wait3A_160 : memref<1x16x1024xf32, #tpu.memory_space<vmem>> -> memref<16x1024xf32, #tpu.memory_space<vmem>>
        %dma_wait3A_162 = tpu.memref_slice %arg6[%mul3A_158] : memref<2048xi32, #tpu.memory_space<vmem>> -> memref<16xi32, #tpu.memory_space<vmem>>
        %dma_wait3A_163 = arith.constant 0 : i32
        %dma_wait3A_164 = arith.constant 0 : i32
        %dma_wait3A_165 = tpu.memref_slice %arg2[%dma_wait3A_163, %dma_wait3A_164] : memref<65536x1024xf32, #tpu.memory_space<hbm>> -> memref<65536x1024xf32, #tpu.memory_space<hbm>>
        %dma_wait3A_166 = tpu.memref_slice %arg9[%select_n3A_156] : memref<3x!tpu.dma_semaphore, #tpu.memory_space<semaphore_mem>> -> memref<1x!tpu.dma_semaphore, #tpu.memory_space<semaphore_mem>>
        %dma_wait3A_167 = tpu.memref_squeeze %dma_wait3A_166 : memref<1x!tpu.dma_semaphore, #tpu.memory_space<semaphore_mem>> -> memref<!tpu.dma_semaphore, #tpu.memory_space<semaphore_mem>>
        tpu.wait_indirect_dma semaphore(%dma_wait3A_167 : memref<!tpu.dma_semaphore, #tpu.memory_space<semaphore_mem>>) src(%dma_wait3A_165 : memref<65536x1024xf32, #tpu.memory_space<hbm>>) dst(%dma_wait3A_161 : memref<16x1024xf32, #tpu.memory_space<vmem>>)
        %jit3A_168 = arith.constant 3 : i32
        %eq3A_169 = arith.constant 0 : i32
        %eq3A_170 = arith.cmpi eq, %jit3A_168, %eq3A_169 : i32
        %jit3A_171 = arith.constant 1 : i32
        %select_n3A_172 = arith.select %eq3A_170, %jit3A_171, %jit3A_168 : i32
        %rem3A_173 = arith.remsi %scan3A_105, %select_n3A_172 : i32
        %ne3A_174 = arith.constant 0 : i32
        %ne3A_175 = arith.cmpi ne, %rem3A_173, %ne3A_174 : i32
        %lt3A_176 = arith.constant 0 : i32
        %lt3A_177 = arith.cmpi slt, %rem3A_173, %lt3A_176 : i32
        %lt3A_178 = arith.constant 0 : i32
        %lt3A_179 = arith.cmpi slt, %select_n3A_172, %lt3A_178 : i32
        %ne3A_180 = arith.xori %lt3A_177, %lt3A_179 : i1
        %and3A_181 = arith.andi %ne3A_180, %ne3A_175 : i1
        %add3A_182 = arith.addi %rem3A_173, %select_n3A_172 : i32
        %select_n3A_183 = arith.select %and3A_181, %add3A_182, %rem3A_173 : i32
        %mul3A_184 = arith.constant 16 : i32
        %mul3A_185 = arith.muli %scan3A_105, %mul3A_184 : i32
        %add3A_186 = arith.addi %add3A_39, %mul3A_185 : i32
        %dma_start3A = arith.constant 0 : i32
        %dma_start3A_187 = arith.constant 0 : i32
        %dma_start3A_188 = tpu.memref_slice %arg7[%select_n3A_183, %dma_start3A, %dma_start3A_187] : memref<3x16x1024xf32, #tpu.memory_space<vmem>> -> memref<1x16x1024xf32, #tpu.memory_space<vmem>>
        %dma_start3A_189 = tpu.memref_squeeze %dma_start3A_188 : memref<1x16x1024xf32, #tpu.memory_space<vmem>> -> memref<16x1024xf32, #tpu.memory_space<vmem>>
        %dma_start3A_190 = arith.constant 0 : i32
        %dma_start3A_191 = tpu.memref_slice %arg4[%add3A_186, %dma_start3A_190] : memref<65536x1024xf32, #tpu.memory_space<hbm>> -> memref<16x1024xf32, #tpu.memory_space<hbm>>
        %dma_start3A_192 = tpu.memref_slice %arg10[%select_n3A_183] : memref<3x!tpu.dma_semaphore, #tpu.memory_space<semaphore_mem>> -> memref<1x!tpu.dma_semaphore, #tpu.memory_space<semaphore_mem>>
        %dma_start3A_193 = tpu.memref_squeeze %dma_start3A_192 : memref<1x!tpu.dma_semaphore, #tpu.memory_space<semaphore_mem>> -> memref<!tpu.dma_semaphore, #tpu.memory_space<semaphore_mem>>
        %dma_start3A_194 = arith.constant 0 : i32
        %dma_start3A_195 = tpu.memref_slice %arg4[%add3A_186, %dma_start3A_194] : memref<65536x1024xf32, #tpu.memory_space<hbm>> -> memref<16x1024xf32, #tpu.memory_space<hbm>>
        %dma_start3A_196 = arith.constant 0 : i32
        %dma_start3A_197 = arith.constant 0 : i32
        %dma_start3A_198 = tpu.memref_slice %arg7[%select_n3A_183, %dma_start3A_196, %dma_start3A_197] : memref<3x16x1024xf32, #tpu.memory_space<vmem>> -> memref<1x16x1024xf32, #tpu.memory_space<vmem>>
        %dma_start3A_199 = tpu.memref_squeeze %dma_start3A_198 : memref<1x16x1024xf32, #tpu.memory_space<vmem>> -> memref<16x1024xf32, #tpu.memory_space<vmem>>
        tpu.enqueue_dma source(%dma_start3A_199 : memref<16x1024xf32, #tpu.memory_space<vmem>>) target(%dma_start3A_195 : memref<16x1024xf32, #tpu.memory_space<hbm>>) target_semaphore(%dma_start3A_193 : memref<!tpu.dma_semaphore, #tpu.memory_space<semaphore_mem>>)
      } else {
      }
      %lt3A_111 = arith.cmpi slt, %scan3A_105, %sub3A_72 : i32
      %convert_element_type3A_112 = arith.extui %lt3A_111 : i1 to i32
      %cond3A_113 = arith.constant 0 : i32
      %cond3A_114 = arith.cmpi ne, %convert_element_type3A_112, %cond3A_113 : i32
      scf.if %cond3A_114 {
        %sub3A_141 = arith.constant 127 : i32
        %sub3A_142 = arith.subi %sub3A_141, %scan3A_105 : i32
        %jit3A_143 = arith.constant 3 : i32
        %eq3A_144 = arith.constant 0 : i32
        %eq3A_145 = arith.cmpi eq, %jit3A_143, %eq3A_144 : i32
        %jit3A_146 = arith.constant 1 : i32
        %select_n3A_147 = arith.select %eq3A_145, %jit3A_146, %jit3A_143 : i32
        %rem3A_148 = arith.remsi %scan3A_105, %select_n3A_147 : i32
        %ne3A_149 = arith.constant 0 : i32
        %ne3A_150 = arith.cmpi ne, %rem3A_148, %ne3A_149 : i32
        %lt3A_151 = arith.constant 0 : i32
        %lt3A_152 = arith.cmpi slt, %rem3A_148, %lt3A_151 : i32
        %lt3A_153 = arith.constant 0 : i32
        %lt3A_154 = arith.cmpi slt, %select_n3A_147, %lt3A_153 : i32
        %ne3A_155 = arith.xori %lt3A_152, %lt3A_154 : i1
        %and3A_156 = arith.andi %ne3A_155, %ne3A_150 : i1
        %add3A_157 = arith.addi %rem3A_148, %select_n3A_147 : i32
        %select_n3A_158 = arith.select %and3A_156, %add3A_157, %rem3A_148 : i32
        %mul3A_159 = arith.constant 16 : i32
        %mul3A_160 = arith.muli %sub3A_142, %mul3A_159 : i32
        %add3A_161 = arith.addi %add3A_39, %mul3A_160 : i32
        %dma_wait3A = tpu.memref_slice %arg11[%select_n3A_158] : memref<3x!tpu.dma_semaphore, #tpu.memory_space<semaphore_mem>> -> memref<1x!tpu.dma_semaphore, #tpu.memory_space<semaphore_mem>>
        %dma_wait3A_162 = tpu.memref_squeeze %dma_wait3A : memref<1x!tpu.dma_semaphore, #tpu.memory_space<semaphore_mem>> -> memref<!tpu.dma_semaphore, #tpu.memory_space<semaphore_mem>>
        %dma_wait3A_163 = arith.constant 0 : i32
        %dma_wait3A_164 = arith.constant 0 : i32
        %dma_wait3A_165 = arith.constant 0 : i32
        %dma_wait3A_166 = tpu.memref_slice %arg8[%arg1, %dma_wait3A_163, %dma_wait3A_164, %dma_wait3A_165] : memref<16x3x16x1024xf32, #tpu.memory_space<vmem_shared>> -> memref<1x3x16x1024xf32, #tpu.memory_space<vmem_shared>>
        %dma_wait3A_167 = tpu.memref_squeeze %dma_wait3A_166 : memref<1x3x16x1024xf32, #tpu.memory_space<vmem_shared>> -> memref<3x16x1024xf32, #tpu.memory_space<vmem_shared>>
        %dma_wait3A_168 = arith.constant 0 : i32
        %dma_wait3A_169 = arith.constant 0 : i32
        %dma_wait3A_170 = tpu.memref_slice %dma_wait3A_167[%select_n3A_158, %dma_wait3A_168, %dma_wait3A_169] : memref<3x16x1024xf32, #tpu.memory_space<vmem_shared>> -> memref<1x16x1024xf32, #tpu.memory_space<vmem_shared>>
        %dma_wait3A_171 = tpu.memref_squeeze %dma_wait3A_170 : memref<1x16x1024xf32, #tpu.memory_space<vmem_shared>> -> memref<16x1024xf32, #tpu.memory_space<vmem_shared>>
        %dma_wait3A_172 = arith.constant 0 : i32
        %dma_wait3A_173 = tpu.memref_slice %arg2[%add3A_161, %dma_wait3A_172] : memref<65536x1024xf32, #tpu.memory_space<hbm>> -> memref<16x1024xf32, #tpu.memory_space<hbm>>
        tpu.wait_dma2 semaphore(%dma_wait3A_162 : memref<!tpu.dma_semaphore, #tpu.memory_space<semaphore_mem>>) src(%dma_wait3A_173 : memref<16x1024xf32, #tpu.memory_space<hbm>>) dst(%dma_wait3A_171 : memref<16x1024xf32, #tpu.memory_space<vmem_shared>>)
        %sub3A_174 = arith.constant 127 : i32
        %sub3A_175 = arith.subi %sub3A_174, %scan3A_105 : i32
        %jit3A_176 = arith.constant 3 : i32
        %eq3A_177 = arith.constant 0 : i32
        %eq3A_178 = arith.cmpi eq, %jit3A_176, %eq3A_177 : i32
        %jit3A_179 = arith.constant 1 : i32
        %select_n3A_180 = arith.select %eq3A_178, %jit3A_179, %jit3A_176 : i32
        %rem3A_181 = arith.remsi %scan3A_105, %select_n3A_180 : i32
        %ne3A_182 = arith.constant 0 : i32
        %ne3A_183 = arith.cmpi ne, %rem3A_181, %ne3A_182 : i32
        %lt3A_184 = arith.constant 0 : i32
        %lt3A_185 = arith.cmpi slt, %rem3A_181, %lt3A_184 : i32
        %lt3A_186 = arith.constant 0 : i32
        %lt3A_187 = arith.cmpi slt, %select_n3A_180, %lt3A_186 : i32
        %ne3A_188 = arith.xori %lt3A_185, %lt3A_187 : i1
        %and3A_189 = arith.andi %ne3A_188, %ne3A_183 : i1
        %add3A_190 = arith.addi %rem3A_181, %select_n3A_180 : i32
        %select_n3A_191 = arith.select %and3A_189, %add3A_190, %rem3A_181 : i32
        %mul3A_192 = arith.constant 16 : i32
        %mul3A_193 = arith.muli %sub3A_175, %mul3A_192 : i32
        %add3A_194 = arith.addi %add3A_39, %mul3A_193 : i32
        %dma_start3A = tpu.memref_slice %arg12[%select_n3A_191] : memref<3x!tpu.dma_semaphore, #tpu.memory_space<semaphore_mem>> -> memref<1x!tpu.dma_semaphore, #tpu.memory_space<semaphore_mem>>
        %dma_start3A_195 = tpu.memref_squeeze %dma_start3A : memref<1x!tpu.dma_semaphore, #tpu.memory_space<semaphore_mem>> -> memref<!tpu.dma_semaphore, #tpu.memory_space<semaphore_mem>>
        %dma_start3A_196 = arith.constant 0 : i32
        %dma_start3A_197 = tpu.memref_slice %arg4[%add3A_194, %dma_start3A_196] : memref<65536x1024xf32, #tpu.memory_space<hbm>> -> memref<16x1024xf32, #tpu.memory_space<hbm>>
        %dma_start3A_198 = arith.constant 0 : i32
        %dma_start3A_199 = arith.constant 0 : i32
        %dma_start3A_200 = arith.constant 0 : i32
        %dma_start3A_201 = tpu.memref_slice %arg8[%arg1, %dma_start3A_198, %dma_start3A_199, %dma_start3A_200] : memref<16x3x16x1024xf32, #tpu.memory_space<vmem_shared>> -> memref<1x3x16x1024xf32, #tpu.memory_space<vmem_shared>>
        %dma_start3A_202 = tpu.memref_squeeze %dma_start3A_201 : memref<1x3x16x1024xf32, #tpu.memory_space<vmem_shared>> -> memref<3x16x1024xf32, #tpu.memory_space<vmem_shared>>
        %dma_start3A_203 = arith.constant 0 : i32
        %dma_start3A_204 = arith.constant 0 : i32
        %dma_start3A_205 = tpu.memref_slice %dma_start3A_202[%select_n3A_191, %dma_start3A_203, %dma_start3A_204] : memref<3x16x1024xf32, #tpu.memory_space<vmem_shared>> -> memref<1x16x1024xf32, #tpu.memory_space<vmem_shared>>
        %dma_start3A_206 = tpu.memref_squeeze %dma_start3A_205 : memref<1x16x1024xf32, #tpu.memory_space<vmem_shared>> -> memref<16x1024xf32, #tpu.memory_space<vmem_shared>>
        tpu.enqueue_dma source(%dma_start3A_206 : memref<16x1024xf32, #tpu.memory_space<vmem_shared>>) target(%dma_start3A_197 : memref<16x1024xf32, #tpu.memory_space<hbm>>) target_semaphore(%dma_start3A_195 : memref<!tpu.dma_semaphore, #tpu.memory_space<semaphore_mem>>)
      } else {
      }
      %ge3A_115 = arith.constant 1 : i32
      %ge3A_116 = arith.cmpi sge, %scan3A_105, %ge3A_115 : i32
      %le3A = arith.cmpi sle, %scan3A_105, %min3A_70 : i32
      %and3A_117 = arith.andi %ge3A_116, %le3A : i1
      %convert_element_type3A_118 = arith.extui %and3A_117 : i1 to i32
      %cond3A_119 = arith.constant 0 : i32
      %cond3A_120 = arith.cmpi ne, %convert_element_type3A_118, %cond3A_119 : i32
      scf.if %cond3A_120 {
        %sub3A_141 = arith.constant 1 : i32
        %sub3A_142 = arith.subi %scan3A_105, %sub3A_141 : i32
        %jit3A_143 = arith.constant 3 : i32
        %eq3A_144 = arith.constant 0 : i32
        %eq3A_145 = arith.cmpi eq, %jit3A_143, %eq3A_144 : i32
        %jit3A_146 = arith.constant 1 : i32
        %select_n3A_147 = arith.select %eq3A_145, %jit3A_146, %jit3A_143 : i32
        %rem3A_148 = arith.remsi %sub3A_142, %select_n3A_147 : i32
        %ne3A_149 = arith.constant 0 : i32
        %ne3A_150 = arith.cmpi ne, %rem3A_148, %ne3A_149 : i32
        %lt3A_151 = arith.constant 0 : i32
        %lt3A_152 = arith.cmpi slt, %rem3A_148, %lt3A_151 : i32
        %lt3A_153 = arith.constant 0 : i32
        %lt3A_154 = arith.cmpi slt, %select_n3A_147, %lt3A_153 : i32
        %ne3A_155 = arith.xori %lt3A_152, %lt3A_154 : i1
        %and3A_156 = arith.andi %ne3A_155, %ne3A_150 : i1
        %add3A_157 = arith.addi %rem3A_148, %select_n3A_147 : i32
        %select_n3A_158 = arith.select %and3A_156, %add3A_157, %rem3A_148 : i32
        %mul3A_159 = arith.constant 16 : i32
        %mul3A_160 = arith.muli %sub3A_142, %mul3A_159 : i32
        %add3A_161 = arith.addi %add3A_39, %mul3A_160 : i32
        %dma_wait3A = arith.constant 0 : i32
        %dma_wait3A_162 = arith.constant 0 : i32
        %dma_wait3A_163 = tpu.memref_slice %arg7[%select_n3A_158, %dma_wait3A, %dma_wait3A_162] : memref<3x16x1024xf32, #tpu.memory_space<vmem>> -> memref<1x16x1024xf32, #tpu.memory_space<vmem>>
        %dma_wait3A_164 = tpu.memref_squeeze %dma_wait3A_163 : memref<1x16x1024xf32, #tpu.memory_space<vmem>> -> memref<16x1024xf32, #tpu.memory_space<vmem>>
        %dma_wait3A_165 = arith.constant 0 : i32
        %dma_wait3A_166 = tpu.memref_slice %arg4[%add3A_161, %dma_wait3A_165] : memref<65536x1024xf32, #tpu.memory_space<hbm>> -> memref<16x1024xf32, #tpu.memory_space<hbm>>
        %dma_wait3A_167 = tpu.memref_slice %arg10[%select_n3A_158] : memref<3x!tpu.dma_semaphore, #tpu.memory_space<semaphore_mem>> -> memref<1x!tpu.dma_semaphore, #tpu.memory_space<semaphore_mem>>
        %dma_wait3A_168 = tpu.memref_squeeze %dma_wait3A_167 : memref<1x!tpu.dma_semaphore, #tpu.memory_space<semaphore_mem>> -> memref<!tpu.dma_semaphore, #tpu.memory_space<semaphore_mem>>
        %dma_wait3A_169 = arith.constant 0 : i32
        %dma_wait3A_170 = tpu.memref_slice %arg4[%add3A_161, %dma_wait3A_169] : memref<65536x1024xf32, #tpu.memory_space<hbm>> -> memref<16x1024xf32, #tpu.memory_space<hbm>>
        %dma_wait3A_171 = arith.constant 0 : i32
        %dma_wait3A_172 = arith.constant 0 : i32
        %dma_wait3A_173 = tpu.memref_slice %arg7[%select_n3A_158, %dma_wait3A_171, %dma_wait3A_172] : memref<3x16x1024xf32, #tpu.memory_space<vmem>> -> memref<1x16x1024xf32, #tpu.memory_space<vmem>>
        %dma_wait3A_174 = tpu.memref_squeeze %dma_wait3A_173 : memref<1x16x1024xf32, #tpu.memory_space<vmem>> -> memref<16x1024xf32, #tpu.memory_space<vmem>>
        tpu.wait_dma2 semaphore(%dma_wait3A_168 : memref<!tpu.dma_semaphore, #tpu.memory_space<semaphore_mem>>) src(%dma_wait3A_174 : memref<16x1024xf32, #tpu.memory_space<vmem>>) dst(%dma_wait3A_170 : memref<16x1024xf32, #tpu.memory_space<hbm>>)
      } else {
      }
      %ge3A_121 = arith.constant 1 : i32
      %ge3A_122 = arith.cmpi sge, %scan3A_105, %ge3A_121 : i32
      %le3A_123 = arith.cmpi sle, %scan3A_105, %sub3A_72 : i32
      %and3A_124 = arith.andi %ge3A_122, %le3A_123 : i1
      %convert_element_type3A_125 = arith.extui %and3A_124 : i1 to i32
      %cond3A_126 = arith.constant 0 : i32
      %cond3A_127 = arith.cmpi ne, %convert_element_type3A_125, %cond3A_126 : i32
      scf.if %cond3A_127 {
        %sub3A_141 = arith.constant 1 : i32
        %sub3A_142 = arith.subi %scan3A_105, %sub3A_141 : i32
        %sub3A_143 = arith.constant 128 : i32
        %sub3A_144 = arith.subi %sub3A_143, %scan3A_105 : i32
        %jit3A_145 = arith.constant 3 : i32
        %eq3A_146 = arith.constant 0 : i32
        %eq3A_147 = arith.cmpi eq, %jit3A_145, %eq3A_146 : i32
        %jit3A_148 = arith.constant 1 : i32
        %select_n3A_149 = arith.select %eq3A_147, %jit3A_148, %jit3A_145 : i32
        %rem3A_150 = arith.remsi %sub3A_142, %select_n3A_149 : i32
        %ne3A_151 = arith.constant 0 : i32
        %ne3A_152 = arith.cmpi ne, %rem3A_150, %ne3A_151 : i32
        %lt3A_153 = arith.constant 0 : i32
        %lt3A_154 = arith.cmpi slt, %rem3A_150, %lt3A_153 : i32
        %lt3A_155 = arith.constant 0 : i32
        %lt3A_156 = arith.cmpi slt, %select_n3A_149, %lt3A_155 : i32
        %ne3A_157 = arith.xori %lt3A_154, %lt3A_156 : i1
        %and3A_158 = arith.andi %ne3A_157, %ne3A_152 : i1
        %add3A_159 = arith.addi %rem3A_150, %select_n3A_149 : i32
        %select_n3A_160 = arith.select %and3A_158, %add3A_159, %rem3A_150 : i32
        %mul3A_161 = arith.constant 16 : i32
        %mul3A_162 = arith.muli %sub3A_144, %mul3A_161 : i32
        %add3A_163 = arith.addi %add3A_39, %mul3A_162 : i32
        %dma_wait3A = tpu.memref_slice %arg12[%select_n3A_160] : memref<3x!tpu.dma_semaphore, #tpu.memory_space<semaphore_mem>> -> memref<1x!tpu.dma_semaphore, #tpu.memory_space<semaphore_mem>>
        %dma_wait3A_164 = tpu.memref_squeeze %dma_wait3A : memref<1x!tpu.dma_semaphore, #tpu.memory_space<semaphore_mem>> -> memref<!tpu.dma_semaphore, #tpu.memory_space<semaphore_mem>>
        %dma_wait3A_165 = arith.constant 0 : i32
        %dma_wait3A_166 = tpu.memref_slice %arg4[%add3A_163, %dma_wait3A_165] : memref<65536x1024xf32, #tpu.memory_space<hbm>> -> memref<16x1024xf32, #tpu.memory_space<hbm>>
        %dma_wait3A_167 = arith.constant 0 : i32
        %dma_wait3A_168 = arith.constant 0 : i32
        %dma_wait3A_169 = arith.constant 0 : i32
        %dma_wait3A_170 = tpu.memref_slice %arg8[%arg1, %dma_wait3A_167, %dma_wait3A_168, %dma_wait3A_169] : memref<16x3x16x1024xf32, #tpu.memory_space<vmem_shared>> -> memref<1x3x16x1024xf32, #tpu.memory_space<vmem_shared>>
        %dma_wait3A_171 = tpu.memref_squeeze %dma_wait3A_170 : memref<1x3x16x1024xf32, #tpu.memory_space<vmem_shared>> -> memref<3x16x1024xf32, #tpu.memory_space<vmem_shared>>
        %dma_wait3A_172 = arith.constant 0 : i32
        %dma_wait3A_173 = arith.constant 0 : i32
        %dma_wait3A_174 = tpu.memref_slice %dma_wait3A_171[%select_n3A_160, %dma_wait3A_172, %dma_wait3A_173] : memref<3x16x1024xf32, #tpu.memory_space<vmem_shared>> -> memref<1x16x1024xf32, #tpu.memory_space<vmem_shared>>
        %dma_wait3A_175 = tpu.memref_squeeze %dma_wait3A_174 : memref<1x16x1024xf32, #tpu.memory_space<vmem_shared>> -> memref<16x1024xf32, #tpu.memory_space<vmem_shared>>
        tpu.wait_dma2 semaphore(%dma_wait3A_164 : memref<!tpu.dma_semaphore, #tpu.memory_space<semaphore_mem>>) src(%dma_wait3A_175 : memref<16x1024xf32, #tpu.memory_space<vmem_shared>>) dst(%dma_wait3A_166 : memref<16x1024xf32, #tpu.memory_space<hbm>>)
      } else {
      }
      %add3A_128 = arith.constant 2 : i32
      %add3A_129 = arith.addi %scan3A_105, %add3A_128 : i32
      %lt3A_130 = arith.cmpi slt, %add3A_129, %min3A_70 : i32
      %convert_element_type3A_131 = arith.extui %lt3A_130 : i1 to i32
      %cond3A_132 = arith.constant 0 : i32
      %cond3A_133 = arith.cmpi ne, %convert_element_type3A_131, %cond3A_132 : i32
      scf.if %cond3A_133 {
        %mul3A_141 = arith.constant 16 : i32
        %mul3A_142 = arith.muli %add3A_129, %mul3A_141 : i32
        %add3A_143 = arith.addi %mul3A_32, %mul3A_142 : i32
        %add3A_144 = arith.constant 0 : i32
        %add3A_145 = arith.addi %add3A_143, %add3A_144 : i32
        %iota3A = tpu.iota {dimensions = array<i32: 0>} : vector<16xi32>
        %add3A_146 = vector.broadcast %add3A_145 : i32 to vector<16xi32>
        %add3A_147 = arith.addi %add3A_146, %iota3A : vector<16xi32>
        %lt3A_148 = vector.broadcast %squeeze3A : i32 to vector<16xi32>
        %lt3A_149 = arith.cmpi slt, %add3A_147, %lt3A_148 : vector<16xi32>
        %sub3A_150 = arith.constant 1 : i32
        %sub3A_151 = arith.subi %squeeze3A, %sub3A_150 : i32
        %sub3A_152 = vector.broadcast %sub3A_151 : i32 to vector<16xi32>
        %sub3A_153 = arith.subi %sub3A_152, %add3A_147 : vector<16xi32>
        %select_n3A_154 = arith.select %lt3A_149, %sub3A_153, %add3A_147 : vector<16xi1>, vector<16xi32>
        %add3A_155 = vector.broadcast %mul3A_34 : i32 to vector<16xi32>
        %add3A_156 = arith.addi %select_n3A_154, %add3A_155 : vector<16xi32>
        %mul3A_157 = arith.constant 16 : i32
        %mul3A_158 = arith.muli %add3A_129, %mul3A_157 : i32
        %add3A_159 = arith.constant 0 : i32
        %add3A_160 = arith.addi %mul3A_158, %add3A_159 : i32
        %swap3A = arith.index_cast %add3A_160 : i32 to index
        %swap3A_161 = tpu.vector_load %arg6[%swap3A] {strides = array<i32>} : memref<2048xi32, #tpu.memory_space<vmem>>, vector<16xi32>,
        %swap3A_162 = vector.shape_cast %swap3A_161 : vector<16xi32> to vector<16xi32>
        %swap3A_163 = vector.shape_cast %add3A_156 : vector<16xi32> to vector<16xi32>
        tpu.vector_store %arg6[%swap3A], %swap3A_163 {strides = array<i32>} : memref<2048xi32, #tpu.memory_space<vmem>>, vector<16xi32>,
        %jit3A_164 = arith.constant 3 : i32
        %eq3A_165 = arith.constant 0 : i32
        %eq3A_166 = arith.cmpi eq, %jit3A_164, %eq3A_165 : i32
        %jit3A_167 = arith.constant 1 : i32
        %select_n3A_168 = arith.select %eq3A_166, %jit3A_167, %jit3A_164 : i32
        %rem3A_169 = arith.remsi %add3A_129, %select_n3A_168 : i32
        %ne3A_170 = arith.constant 0 : i32
        %ne3A_171 = arith.cmpi ne, %rem3A_169, %ne3A_170 : i32
        %lt3A_172 = arith.constant 0 : i32
        %lt3A_173 = arith.cmpi slt, %rem3A_169, %lt3A_172 : i32
        %lt3A_174 = arith.constant 0 : i32
        %lt3A_175 = arith.cmpi slt, %select_n3A_168, %lt3A_174 : i32
        %ne3A_176 = arith.xori %lt3A_173, %lt3A_175 : i1
        %and3A_177 = arith.andi %ne3A_176, %ne3A_171 : i1
        %add3A_178 = arith.addi %rem3A_169, %select_n3A_168 : i32
        %select_n3A_179 = arith.select %and3A_177, %add3A_178, %rem3A_169 : i32
        %mul3A_180 = arith.constant 16 : i32
        %mul3A_181 = arith.muli %add3A_129, %mul3A_180 : i32
        %dma_start3A = arith.constant 0 : i32
        %dma_start3A_182 = arith.constant 0 : i32
        %dma_start3A_183 = tpu.memref_slice %arg7[%select_n3A_179, %dma_start3A, %dma_start3A_182] : memref<3x16x1024xf32, #tpu.memory_space<vmem>> -> memref<1x16x1024xf32, #tpu.memory_space<vmem>>
        %dma_start3A_184 = tpu.memref_squeeze %dma_start3A_183 : memref<1x16x1024xf32, #tpu.memory_space<vmem>> -> memref<16x1024xf32, #tpu.memory_space<vmem>>
        %dma_start3A_185 = tpu.memref_slice %arg6[%mul3A_181] : memref<2048xi32, #tpu.memory_space<vmem>> -> memref<16xi32, #tpu.memory_space<vmem>>
        %dma_start3A_186 = arith.constant 0 : i32
        %dma_start3A_187 = arith.constant 0 : i32
        %dma_start3A_188 = tpu.memref_slice %arg2[%dma_start3A_186, %dma_start3A_187] : memref<65536x1024xf32, #tpu.memory_space<hbm>> -> memref<65536x1024xf32, #tpu.memory_space<hbm>>
        %dma_start3A_189 = tpu.memref_slice %arg9[%select_n3A_179] : memref<3x!tpu.dma_semaphore, #tpu.memory_space<semaphore_mem>> -> memref<1x!tpu.dma_semaphore, #tpu.memory_space<semaphore_mem>>
        %dma_start3A_190 = tpu.memref_squeeze %dma_start3A_189 : memref<1x!tpu.dma_semaphore, #tpu.memory_space<semaphore_mem>> -> memref<!tpu.dma_semaphore, #tpu.memory_space<semaphore_mem>>
        tpu.enqueue_indirect_dma source(%dma_start3A_188 : memref<65536x1024xf32, #tpu.memory_space<hbm>>) target(%dma_start3A_184 : memref<16x1024xf32, #tpu.memory_space<vmem>>) offsets(%dma_start3A_185 : memref<16xi32, #tpu.memory_space<vmem>>) semaphore(%dma_start3A_190 : memref<!tpu.dma_semaphore, #tpu.memory_space<semaphore_mem>>)
      } else {
      }
      %add3A_134 = arith.constant 2 : i32
      %add3A_135 = arith.addi %scan3A_105, %add3A_134 : i32
      %lt3A_136 = arith.cmpi slt, %add3A_135, %sub3A_72 : i32
      %convert_element_type3A_137 = arith.extui %lt3A_136 : i1 to i32
      %cond3A_138 = arith.constant 0 : i32
      %cond3A_139 = arith.cmpi ne, %convert_element_type3A_137, %cond3A_138 : i32
      scf.if %cond3A_139 {
        %sub3A_141 = arith.constant 127 : i32
        %sub3A_142 = arith.subi %sub3A_141, %add3A_135 : i32
        %jit3A_143 = arith.constant 3 : i32
        %eq3A_144 = arith.constant 0 : i32
        %eq3A_145 = arith.cmpi eq, %jit3A_143, %eq3A_144 : i32
        %jit3A_146 = arith.constant 1 : i32
        %select_n3A_147 = arith.select %eq3A_145, %jit3A_146, %jit3A_143 : i32
        %rem3A_148 = arith.remsi %add3A_135, %select_n3A_147 : i32
        %ne3A_149 = arith.constant 0 : i32
        %ne3A_150 = arith.cmpi ne, %rem3A_148, %ne3A_149 : i32
        %lt3A_151 = arith.constant 0 : i32
        %lt3A_152 = arith.cmpi slt, %rem3A_148, %lt3A_151 : i32
        %lt3A_153 = arith.constant 0 : i32
        %lt3A_154 = arith.cmpi slt, %select_n3A_147, %lt3A_153 : i32
        %ne3A_155 = arith.xori %lt3A_152, %lt3A_154 : i1
        %and3A_156 = arith.andi %ne3A_155, %ne3A_150 : i1
        %add3A_157 = arith.addi %rem3A_148, %select_n3A_147 : i32
        %select_n3A_158 = arith.select %and3A_156, %add3A_157, %rem3A_148 : i32
        %mul3A_159 = arith.constant 16 : i32
        %mul3A_160 = arith.muli %sub3A_142, %mul3A_159 : i32
        %add3A_161 = arith.addi %add3A_39, %mul3A_160 : i32
        %dma_start3A = tpu.memref_slice %arg11[%select_n3A_158] : memref<3x!tpu.dma_semaphore, #tpu.memory_space<semaphore_mem>> -> memref<1x!tpu.dma_semaphore, #tpu.memory_space<semaphore_mem>>
        %dma_start3A_162 = tpu.memref_squeeze %dma_start3A : memref<1x!tpu.dma_semaphore, #tpu.memory_space<semaphore_mem>> -> memref<!tpu.dma_semaphore, #tpu.memory_space<semaphore_mem>>
        %dma_start3A_163 = arith.constant 0 : i32
        %dma_start3A_164 = arith.constant 0 : i32
        %dma_start3A_165 = arith.constant 0 : i32
        %dma_start3A_166 = tpu.memref_slice %arg8[%arg1, %dma_start3A_163, %dma_start3A_164, %dma_start3A_165] : memref<16x3x16x1024xf32, #tpu.memory_space<vmem_shared>> -> memref<1x3x16x1024xf32, #tpu.memory_space<vmem_shared>>
        %dma_start3A_167 = tpu.memref_squeeze %dma_start3A_166 : memref<1x3x16x1024xf32, #tpu.memory_space<vmem_shared>> -> memref<3x16x1024xf32, #tpu.memory_space<vmem_shared>>
        %dma_start3A_168 = arith.constant 0 : i32
        %dma_start3A_169 = arith.constant 0 : i32
        %dma_start3A_170 = tpu.memref_slice %dma_start3A_167[%select_n3A_158, %dma_start3A_168, %dma_start3A_169] : memref<3x16x1024xf32, #tpu.memory_space<vmem_shared>> -> memref<1x16x1024xf32, #tpu.memory_space<vmem_shared>>
        %dma_start3A_171 = tpu.memref_squeeze %dma_start3A_170 : memref<1x16x1024xf32, #tpu.memory_space<vmem_shared>> -> memref<16x1024xf32, #tpu.memory_space<vmem_shared>>
        %dma_start3A_172 = arith.constant 0 : i32
        %dma_start3A_173 = tpu.memref_slice %arg2[%add3A_161, %dma_start3A_172] : memref<65536x1024xf32, #tpu.memory_space<hbm>> -> memref<16x1024xf32, #tpu.memory_space<hbm>>
        tpu.enqueue_dma source(%dma_start3A_173 : memref<16x1024xf32, #tpu.memory_space<hbm>>) target(%dma_start3A_171 : memref<16x1024xf32, #tpu.memory_space<vmem_shared>>) target_semaphore(%dma_start3A_162 : memref<!tpu.dma_semaphore, #tpu.memory_space<semaphore_mem>>)
      } else {
      }
      %scan3A_140 = arith.constant 0 : i32
      scf.yield %scan3A_140 : i32
    }
    %scan3A_95 = arith.constant 128 : i32
    %ge3A = arith.constant 128 : i32
    %ge3A_96 = arith.cmpi sge, %min3A_70, %ge3A : i32
    %convert_element_type3A_97 = arith.extui %ge3A_96 : i1 to i32
    %cond3A_98 = arith.constant 0 : i32
    %cond3A_99 = arith.cmpi ne, %convert_element_type3A_97, %cond3A_98 : i32
    scf.if %cond3A_99 {
      %add3A_105 = arith.constant 2032 : i32
      %add3A_106 = arith.addi %add3A_39, %add3A_105 : i32
      %dma_wait3A = arith.constant 1 : i32
      %dma_wait3A_107 = arith.constant 1 : i32
      %dma_wait3A_108 = arith.constant 0 : i32
      %dma_wait3A_109 = arith.constant 0 : i32
      %dma_wait3A_110 = tpu.memref_slice %arg7[%dma_wait3A, %dma_wait3A_108, %dma_wait3A_109] : memref<3x16x1024xf32, #tpu.memory_space<vmem>> -> memref<1x16x1024xf32, #tpu.memory_space<vmem>>
      %dma_wait3A_111 = tpu.memref_squeeze %dma_wait3A_110 : memref<1x16x1024xf32, #tpu.memory_space<vmem>> -> memref<16x1024xf32, #tpu.memory_space<vmem>>
      %dma_wait3A_112 = arith.constant 0 : i32
      %dma_wait3A_113 = tpu.memref_slice %arg4[%add3A_106, %dma_wait3A_112] : memref<65536x1024xf32, #tpu.memory_space<hbm>> -> memref<16x1024xf32, #tpu.memory_space<hbm>>
      %dma_wait3A_114 = tpu.memref_slice %arg10[%dma_wait3A_107] : memref<3x!tpu.dma_semaphore, #tpu.memory_space<semaphore_mem>> -> memref<1x!tpu.dma_semaphore, #tpu.memory_space<semaphore_mem>>
      %dma_wait3A_115 = tpu.memref_squeeze %dma_wait3A_114 : memref<1x!tpu.dma_semaphore, #tpu.memory_space<semaphore_mem>> -> memref<!tpu.dma_semaphore, #tpu.memory_space<semaphore_mem>>
      %dma_wait3A_116 = arith.constant 0 : i32
      %dma_wait3A_117 = tpu.memref_slice %arg4[%add3A_106, %dma_wait3A_116] : memref<65536x1024xf32, #tpu.memory_space<hbm>> -> memref<16x1024xf32, #tpu.memory_space<hbm>>
      %dma_wait3A_118 = arith.constant 0 : i32
      %dma_wait3A_119 = arith.constant 0 : i32
      %dma_wait3A_120 = tpu.memref_slice %arg7[%dma_wait3A, %dma_wait3A_118, %dma_wait3A_119] : memref<3x16x1024xf32, #tpu.memory_space<vmem>> -> memref<1x16x1024xf32, #tpu.memory_space<vmem>>
      %dma_wait3A_121 = tpu.memref_squeeze %dma_wait3A_120 : memref<1x16x1024xf32, #tpu.memory_space<vmem>> -> memref<16x1024xf32, #tpu.memory_space<vmem>>
      tpu.wait_dma2 semaphore(%dma_wait3A_115 : memref<!tpu.dma_semaphore, #tpu.memory_space<semaphore_mem>>) src(%dma_wait3A_121 : memref<16x1024xf32, #tpu.memory_space<vmem>>) dst(%dma_wait3A_117 : memref<16x1024xf32, #tpu.memory_space<hbm>>)
    } else {
    }
    %ge3A_100 = arith.constant 128 : i32
    %ge3A_101 = arith.cmpi sge, %sub3A_72, %ge3A_100 : i32
    %convert_element_type3A_102 = arith.extui %ge3A_101 : i1 to i32
    %cond3A_103 = arith.constant 0 : i32
    %cond3A_104 = arith.cmpi ne, %convert_element_type3A_102, %cond3A_103 : i32
    scf.if %cond3A_104 {
      %add3A_105 = arith.constant 0 : i32
      %add3A_106 = arith.addi %add3A_39, %add3A_105 : i32
      %dma_wait3A = arith.constant 1 : i32
      %dma_wait3A_107 = arith.constant 1 : i32
      %dma_wait3A_108 = tpu.memref_slice %arg12[%dma_wait3A_107] : memref<3x!tpu.dma_semaphore, #tpu.memory_space<semaphore_mem>> -> memref<1x!tpu.dma_semaphore, #tpu.memory_space<semaphore_mem>>
      %dma_wait3A_109 = tpu.memref_squeeze %dma_wait3A_108 : memref<1x!tpu.dma_semaphore, #tpu.memory_space<semaphore_mem>> -> memref<!tpu.dma_semaphore, #tpu.memory_space<semaphore_mem>>
      %dma_wait3A_110 = arith.constant 0 : i32
      %dma_wait3A_111 = tpu.memref_slice %arg4[%add3A_106, %dma_wait3A_110] : memref<65536x1024xf32, #tpu.memory_space<hbm>> -> memref<16x1024xf32, #tpu.memory_space<hbm>>
      %dma_wait3A_112 = arith.constant 0 : i32
      %dma_wait3A_113 = arith.constant 0 : i32
      %dma_wait3A_114 = arith.constant 0 : i32
      %dma_wait3A_115 = tpu.memref_slice %arg8[%arg1, %dma_wait3A_112, %dma_wait3A_113, %dma_wait3A_114] : memref<16x3x16x1024xf32, #tpu.memory_space<vmem_shared>> -> memref<1x3x16x1024xf32, #tpu.memory_space<vmem_shared>>
      %dma_wait3A_116 = tpu.memref_squeeze %dma_wait3A_115 : memref<1x3x16x1024xf32, #tpu.memory_space<vmem_shared>> -> memref<3x16x1024xf32, #tpu.memory_space<vmem_shared>>
      %dma_wait3A_117 = arith.constant 0 : i32
      %dma_wait3A_118 = arith.constant 0 : i32
      %dma_wait3A_119 = tpu.memref_slice %dma_wait3A_116[%dma_wait3A, %dma_wait3A_117, %dma_wait3A_118] : memref<3x16x1024xf32, #tpu.memory_space<vmem_shared>> -> memref<1x16x1024xf32, #tpu.memory_space<vmem_shared>>
      %dma_wait3A_120 = tpu.memref_squeeze %dma_wait3A_119 : memref<1x16x1024xf32, #tpu.memory_space<vmem_shared>> -> memref<16x1024xf32, #tpu.memory_space<vmem_shared>>
      tpu.wait_dma2 semaphore(%dma_wait3A_109 : memref<!tpu.dma_semaphore, #tpu.memory_space<semaphore_mem>>) src(%dma_wait3A_120 : memref<16x1024xf32, #tpu.memory_space<vmem_shared>>) dst(%dma_wait3A_111 : memref<16x1024xf32, #tpu.memory_space<hbm>>)
    } else {
    }
    return
  }
}

</mosaic_0001>

<sc_bundles>
// kernel: kernel.3.cloned.1.call-start
scs
__scs_entry_jumppad:
0x0: {  	(pc) =	sbr.rel $0x88, $3  }
0x1: {  	(tag) =	ssettag $0x0;
	lr =	simm.s32 $0x1  }
0x2: {  	[smem:$0x3F9F] =	sst lr;
	_ =	strace $0xD0000000  }
0x3: {  	_ = 	snop  }
0x4: {  	_ = 	snop  }
0x5: {  	_ = 	snop  }
0x6: {  	_ = 	snop  }
0x7: {  	_ = 	snop  }
__scs_overlays_trampoline_lowered:
0x8: {  	[smem:$0x3FAE] =	sst s0  }
0x9: {  	[smem:$0x3FAF] =	sst s1  }
0xa: {  	[smem:$0x3FB0] =	sst s2  }
0xb: {  	[smem:$0x3FB1] =	sst s3  }
0xc: {  	[smem:$0x3FB2] =	sst s4  }
0xd: {  	[smem:$0x3FB3] =	sst s5  }
0xe: {  	[smem:$0x3FB4] =	sst s6  }
0xf: {  	[smem:$0x3FB5] =	sst s7  }
0x10: {  	[smem:$0x3FB6] =	sst s8  }
0x11: {  	[smem:$0x3FB7] =	sst s9;
	s0 =	simm.s32 @!p0 $0x0  }
0x12: {  	s1 =	sld [smem:$0x3F9D];
	s0 =	simm.s32 @p0 $0x1  }
0x13: {  	[smem:$0x3FB8] =	sst s0;
	s0 =	simm.s32 @!p1 $0x0  }
0x14: {  	s2 =	sld [smem:$0x3F9C];
	s0 =	simm.s32 @p1 $0x1  }
0x15: {  	[smem:$0x3FB9] =	sst s0;
	s0 =	simm.s32 @!p2 $0x0  }
0x16: {  	s3 =	sld [smem:$0x3FDB];
	s0 =	simm.s32 @p2 $0x1  }
0x17: {  	s4 =	simm.s32 $0x1BF5;
	[smem:$0x3FBB] =	sst s0  }
0x18: {  	s0 =	sld [smem:$0x3F9E];
	_ =	swait.ge [sflag:s4], $0x0  }
0x19: {  	s7 =	sld [smem:$0x3F9F]  }
0x1a: {  	s8 =	sadd.s32 $0xFFFFE003, lr  }
0x1b: {  	s9 =	sadd.s32 $0xFFFFFEF7, lr;
	s5 =	simm.s32 $0xFFFFFFFF;
	p2 =	slt.u32 s8, $0xFFFFF086  }
0x1c: {  	p1 =	slt.u32 s9, $0xF7A;
	s5 =	simm.s32 @!p2 $0x0  }
0x1d: {  	s5 =	simm.s32 @p1 $0x1;
	p0 =	seq.s32 s7, s2  }
0x1e: {  	s7 =	smul.u32 @!p0 $0xF7A, s2;
	p2 =	seq.s32 @!p0 s5, $0x0  }
0x1f: {  	s9 =	smul.u32 $0xF7A, s1;
	s8 =	simm.s32 @!p0 $0x1BF5;
	p2 =	por !p2, p0  }
0x20: {  	[sflag:s8] =	ssyncset.s32 @!p0 $0xFFFFF086;
	s6 =	sadd.s32 @!p0 s3, s7;
	s7 =	simm.s32 @!p0 $0x108  }
0x21: {  	s3 =	sadd.s32 s3, s9;
	s6 =	sadd.s32 @!p0 $0x88, s6;
	s7 =	simm.s32 @p2 $0x1082  }
0x22: {  	[simem:s7], [sflag:s8] =	dma.local @!p0 [hbm:s6], $0xF7A  }
0x23: {  	s9 =	sor.u32 $0xD0000000, s2;
	s6 =	simm.s32 $0x108;
	_ =	swait.ge @!p0 [sflag:s8], $0x0  }
0x24: {  	s3 =	sadd.s32 $0x88, s3;
	s6 =	simm.s32 @!p1 $0x1082;
	[sflag:s4] =	ssyncset.s32 $0xFFFFF086  }
0x25: {  	[simem:s6], [sflag:s4] =	dma.local [hbm:s3], $0xF7A  }
0x26: {  	[smem:$0x3F9F] =	sst s1;
	(tag) =	ssettag s2;
	_ =	strace s9  }
0x27: {  	s1 =	sld [smem:$0x3FAF]  }
0x28: {  	s2 =	sld [smem:$0x3FB0]  }
0x29: {  	s4 =	sld [smem:$0x3FB2]  }
0x2a: {  	p0 =	seq.s32 s5, $0x0;
	s5 =	sld [smem:$0x3FB3]  }
0x2b: {  	s6 =	sld [smem:$0x3FB4]  }
0x2c: {  	s7 =	sld [smem:$0x3FB5]  }
0x2d: {  	s3 =	simm.s32 $0x108;
	s8 =	sld [smem:$0x3FB6]  }
0x2e: {  	s3 =	simm.s32 @!p0 $0x1082;
	s9 =	sld [smem:$0x3FB7]  }
0x2f: {  	lr =	sadd.s32 s0, s3;
	s0 =	sld [smem:$0x3FAE]  }
0x30: {  	s3 =	sld [smem:$0x3FB1]  }
0x31: {  	[smem:$0x3FBA] =	sst s10  }
0x32: {  	s10 =	sld [smem:$0x3FB8];
	_ =	sdelay $0x3  }
0x33: {  	p0 =	seq.s32 s10, $0x1;
	s10 =	sld [smem:$0x3FBA];
	_ =	sdelay $0x3  }
0x34: {  	[smem:$0x3FBA] =	sst s10  }
0x35: {  	s10 =	sld [smem:$0x3FB9];
	_ =	sdelay $0x3  }
0x36: {  	p1 =	seq.s32 s10, $0x1;
	s10 =	sld [smem:$0x3FBA];
	_ =	sdelay $0x3  }
0x37: {  	[smem:$0x3FBA] =	sst s10  }
0x38: {  	s10 =	sld [smem:$0x3FBB]  }
0x39: {  	_ = 	snop;
	(pc) =	sbr.ind lr, $3  }
0x3a: {  	_ = 	snop  }
0x3b: {  	_ = 	snop  }
0x3c: {  	p2 =	seq.s32 s10, $0x1;
	s10 =	sld [smem:$0x3FBA]  }
0x3d: {  	_ =	shalt  }
0x3e: {  	_ =	shalt  }
0x3f: {  	_ =	shalt  }
0x40: {  	_ =	shalt  }
0x41: {  	_ =	shalt  }
0x42: {  	_ =	shalt  }
0x43: {  	_ =	shalt  }
0x44: {  	_ =	shalt  }
0x45: {  	_ =	shalt  }
0x46: {  	_ =	shalt  }
0x47: {  	_ =	shalt  }
0x48: {  	_ =	shalt  }
0x49: {  	_ =	shalt  }
0x4a: {  	_ =	shalt  }
0x4b: {  	_ =	shalt  }
0x4c: {  	_ =	shalt  }
0x4d: {  	_ =	shalt  }
0x4e: {  	_ =	shalt  }
0x4f: {  	_ =	shalt  }
0x50: {  	_ =	shalt  }
0x51: {  	_ =	shalt  }
0x52: {  	_ =	shalt  }
0x53: {  	_ =	shalt  }
0x54: {  	_ =	shalt  }
0x55: {  	_ =	shalt  }
0x56: {  	_ =	shalt  }
0x57: {  	_ =	shalt  }
0x58: {  	_ =	shalt  }
0x59: {  	_ =	shalt  }
0x5a: {  	_ =	shalt  }
0x5b: {  	_ =	shalt  }
0x5c: {  	_ =	shalt  }
0x5d: {  	_ =	shalt  }
0x5e: {  	_ =	shalt  }
0x5f: {  	_ =	shalt  }
0x60: {  	_ =	shalt  }
0x61: {  	_ =	shalt  }
0x62: {  	_ =	shalt  }
0x63: {  	_ =	shalt  }
0x64: {  	_ =	shalt  }
0x65: {  	_ =	shalt  }
0x66: {  	_ =	shalt  }
0x67: {  	_ =	shalt  }
0x68: {  	_ =	shalt  }
0x69: {  	_ =	shalt  }
0x6a: {  	_ =	shalt  }
0x6b: {  	_ =	shalt  }
0x6c: {  	_ =	shalt  }
0x6d: {  	_ =	shalt  }
0x6e: {  	_ =	shalt  }
0x6f: {  	_ =	shalt  }
0x70: {  	_ =	shalt  }
0x71: {  	_ =	shalt  }
0x72: {  	_ =	shalt  }
0x73: {  	_ =	shalt  }
0x74: {  	_ =	shalt  }
0x75: {  	_ =	shalt  }
0x76: {  	_ =	shalt  }
0x77: {  	_ =	shalt  }
0x78: {  	_ =	shalt  }
0x79: {  	_ =	shalt  }
0x7a: {  	_ =	shalt  }
0x7b: {  	_ =	shalt  }
0x7c: {  	_ =	shalt  }
0x7d: {  	_ =	shalt  }
0x7e: {  	_ =	shalt  }
0x7f: {  	_ =	shalt  }
0x80: {  	_ =	shalt  }
0x81: {  	_ =	shalt  }
0x82: {  	_ =	shalt  }
0x83: {  	_ =	shalt  }
0x84: {  	_ =	shalt  }
0x85: {  	_ =	shalt  }
0x86: {  	_ =	shalt  }
0x87: {  	_ =	shalt  }
.Lfunc_end0:
.L_simem_size_0:
called_computation_lowered:
.L_overlay_start_0:
0x88: {  	s2 =	sld [smem:$0x3FD9]  }
0x89: {  	s3 =	sld [smem:$0x3FFE];
	_ =	sdelay $0x1  }
0x8a: {  	s1 =	srdreg.scid  }
0x8b: {  	s0 =	sand.u32 $0x1, s1  }
0x8c: {  	s17 =	sshll.u32 s0, $0xA;
	s2 =	sadd.s32 s3, s2  }
0x8d: {  	s2 =	sadd.s32 s2, s17  }
0x8e: {  	[smem:$0x3FC6] =	sst s2  }
0x8f: {  	_ = 	snop  }
0x90: {  	s2 =	sld [smem:$0x3FC9]  }
0x91: {  	s18 =	sld [smem:$0x3FD0];
	(tm) =	ssettm $0x1  }
0x92: {  	s4 =	sld [smem:$0x3FFB];
	_ =	sdelay $0x3  }
0x93: {  	_ =	strace s4  }
0x94: {  	s4 =	sld [smem:$0x3FFC];
	_ =	sdelay $0x3  }
0x95: {  	_ =	strace s4  }
0x96: {  	s4 =	sld [smem:$0x3FFD];
	_ =	sdelay $0x3  }
0x97: {  	_ =	strace s4  }
0x98: {  	_ =	strace $0x8FFFFFFF  }
0x99: {  	s19 =	sld [smem:$0x3FDB];
	_ =	sdelay $0x1  }
0x9a: {  	s5 =	simm.s32 $_scs_section_size  }
0x9b: {  	s6 =	simm.s32 $_size__tile_overlayer_lowered;
	s7 =	simm.s32 $_tile_overlayer_lowered  }
0x9c: {  	s22 =	simm.s32 $0x1BFF;
	s21 =	sshll.u32 s7, $0x1;
	s4 =	sadd.s32 s5, s19  }
0x9d: {  	s8 =	simm.s32 $0x0;
	s20 =	sshll.u32 s6, $0x1;
	s6 =	sadd.s32 s21, s4  }
0x9e: {  	[timem:s8], [sflag:s22] =	dma.local [hbm:s6], s20  }
0x9f: {  	_ =	swait.ge [sflag:s22], s20  }
0xa0: {  	s5 =	ssub.s32 $0x0, s20;
	[sflag:s22] =	ssyncset.done $0x0  }
0xa1: {  	[sflag:s22] =	ssyncadd.s32 s5;
	_ =	sdelay $0x1  }
0xa2: {  	s23 =	simm.s32 $0x1B8B  }
0xa3: {  	_ =	swait.ge [sflag:s23], $0x1  }
0xa4: {  	[sflag:s23] =	ssyncset.done $0x0  }
0xa5: {  	s25 =	simm.s32 $0x1B8E;
	s24 =	sld [smem:$0x3FFE];
	[sflag:s23] =	ssyncadd.s32 $0xFFFFFFFF  }
0xa6: {  	s26 =	simm.s32 $execute0_lowered;
	[smem:$0x3FD2] =	sst s25  }
0xa7: {  	s6 =	sshll.u32 s26, $0x1;
	_ =	strace $0x80000046;
	[dreg:$0x1] =	wrdreg $0xFFFFFFFF  }
0xa8: {  	s28 =	simm.s32 $_size_execute0_lowered;
	s4 =	sadd.s32 s4, s6;
	[dreg:$0x0] =	wrdreg $0x0  }
0xa9: {  	s6 =	sshll.u32 s28, $0x1;
	[dreg:$0x2] =	wrdreg s4  }
0xaa: {  	[dreg:$0x3] =	wrdreg s6  }
0xab: {  	[dreg:$0x4] =	wrdreg $0xC0  }
0xac: {  	_ =	task [dreg:s8], $0x5FFFF  }
0xad: {  	[dreg:$0x1] =	wrdreg $0xFFFFFFFF  }
0xae: {  	[dreg:$0x0] =	wrdreg $0x60  }
0xaf: {  	[dreg:$0x2] =	wrdreg s2  }
0xb0: {  	[dreg:$0x3] =	wrdreg s24  }
0xb1: {  	[dreg:$0x4] =	wrdreg s18  }
0xb2: {  	[dreg:$0x5] =	wrdreg $0xC9000  }
0xb3: {  	[dreg:$0x6] =	wrdreg $0x9  }
0xb4: {  	_ =	task.clear_ibuf [dreg:s8], $0x7FFFF;
	_ =	strace $0x90000046  }
0xb5: {  	s29 =	simm.s32 $0x9;
	_ =	strace $0x80000048  }
0xb6: {  	_ =	swait.ge [sflag:s29], $0x1  }
0xb7: {  	[sflag:s29] =	ssyncadd.s32 $0xFFFFFFFF  }
0xb8: {  	_ =	strace $0x90000048  }
0xb9: {  	_ =	sfence  }
0xba: {  	s30 =	sld [smem:$0x0];
	_ =	sdelay $0x2  }
0xbb: {  	s31 =	sshll.u32 s1, $0xD;
	s1 =	sshrl.u32 s1, $0x2  }
0xbc: {  	s3 =	sand.u32 $0x4000, s31;
	s1 =	sadd.s32 s1, s30  }
0xbd: {  	s0 =	sor.u32 s3, s0;
	s1 =	sshll.u32 s1, $0x11  }
0xbe: {  	s0 =	sor.u32 s1, s0  }
0xbf: {  	s0 =	sadd.s32 $0x8F2B, s0  }
0xc0: {  	[sflag:s0] =	ssyncadd.remote.s32 $0x1  }
0xc1: {  	_ =	sfence.sel $0xFFFF  }
0xc2: {  	[dreg:$0x0] =	wrdreg $0xFFFFFFFF;
	(pc) =	sbr.abs _section_cstart, $3  }
0xc3: {  	[dreg:$0x1] =	wrdreg $0xFFFFFFFF  }
0xc4: {  	_ =	task.clear_ibuf [dreg:s8], $0x2FFFF;
	_ =	strace $0x9FFFFFFF  }
0xc5: {  	(tm) =	ssettm $0x7FFFFFFF  }
tec
execute0_lowered:
.L_overlay_start_1:
0x0: {  	(tag) =	ssettag $0x1  }
0x1: {  	s7 =	rddreg [dreg:$0x0]  }
0x2: {  	s2 =	rddreg [dreg:$0x1]  }
0x3: {  	s0 =	srdreg.scid;
	s8 =	rddreg [dreg:$0x2]  }
0x4: {  	s9 =	stileid.u32;
	s4 =	rddreg [dreg:$0x3];
	s1 =	simm.s32 $0x0  }
0x5: {  	s0 =	sand.u32 $0x1, s0;
	[smem:$0x7FF] =	sst s1;
	s2 =	sadd.s32 $0x400, s2  }
0x6: {  	s10 =	smul.u32 $0x30000, s9;
	s14 =	sadd.s32 $0x300, s7;
	s3 =	sor.u32 s0, s9  }
0x7: {  	p1 =	seq.s32 s0, $0x1;
	_ =	strace $0x80000047;
	s5 =	ssub.s32 $0x2, s0  }
0x8: {  	s13 =	sshll.u32 s0, $0xB;
	[dreg:$0xe] =	wrdreg s2;
	s0 =	sshll.u32 s0, $0x15  }
0x9: {  	[dreg:$0x6] =	wrdreg s14;
	p0 =	seq.s32 s3, $0x0;
	s3 =	simm.s32 $0x1  }
0xa: {  	s6 =	sshrl.u32 s5, $0x1;
	s10 =	sshrl.u32 s10, $0x2;
	s28 =	sor.u32 $0x20, s13  }
0xb: {  	[dreg:$0xd] =	wrdreg s13;
	p0 =	por !p0, !p1;
	s19 =	ssub.s32 s5, s6  }
0xc: {  	s10 =	sadd.s32 s10, s4;
	[dreg:$0x14] =	wrdreg s28;
	p0 =	por !p0, !p0  }
0xd: {  	s12 =	sadd.s32 $0x4000, s10;
	s2 =	smax.u32 s19, $0x1;
	[dreg:$0xa] =	wrdreg s10  }
0xe: {  	s26 =	sadd.s32 $0x8000, s10;
	s3 =	simm.s32 @!p0 $0x0;
	[dreg:$0x11] =	wrdreg s2  }
0xf: {  	[dreg:$0x5] =	wrdreg s26;
	s30 =	sshrl.u32 s12, $0x3;
	s3 =	ssub.s32 s9, s3  }
0x10: {  	s11 =	sshll.u32 s3, $0xC;
	s21 =	sshll.u32 s3, $0x6;
	s3 =	sshll.u32 s3, $0x16  }
0x11: {  	[dreg:$0x16] =	wrdreg s30;
	s20 =	sor.u32 s13, s11;
	s0 =	sor.u32 s0, s3  }
0x12: {  	s29 =	sshra.s32 s21, $0x2;
	s5 =	sshll.u32 s20, $0x7;
	s24 =	sor.u32 $0x1FC000, s0  }
0x13: {  	s0 =	sshrl.u32 s0, $0x3;
	[dreg:$0x15] =	wrdreg s29;
	s5 =	sand.u32 $0x1FFC0000, s5  }
0x14: {  	v5 =	vlaneseq.u32;
	[dreg:$0x12] =	wrdreg s24;
	s0 =	sadd.s32 s0, s8;
	s5 =	sadd.s32 s5, s7  }
0x15: {  	vm0 =	vmmov $0xffff;
	s25 =	sadd.s32 $0x100, s7;
	v4 =	vshrl.u32 v5, $0x3;
	[dreg:$0x13] =	wrdreg s0;
	s22 =	sadd.s32 $0x3F800, s5  }
0x16: {  	v3 =	vand.u32 $0x7, v5;
	v4 =	vmul.u32 $0x8, v4;
	s23 =	sor.u32 $0x10, s13;
	v0 =	vor.u32 s13, v5;
	s5 =	sadd.s32 $0x3F000, s5;
	[dreg:$0xf] =	wrdreg s22  }
0x17: {  	s31 =	sadd.s32 $0x200, s7;
	v2 =	vor.u32 s23, v5;
	v5 =	vor.u32 $0x8, v5;
	s2 =	simm.s32 $0x0;
	v1 =	vmov s11;
	[dreg:$0x10] =	wrdreg s5  }
.LBB2_1:
0x18: {  	[dreg:$0x17] =	wrdreg s2  }
0x19: {  	s0 =	rddreg [dreg:$0xe];
	s26 =	simm.s32 $0xD  }
0x1a: {  	[tilespmem:s1], [sflag:$0xD] =	stream.linear.gather [hbm4b:s0+s1], $0x100, $0x38;
	[tilespmem:$0x18900] =	vst v63  }
0x1b: {  	_ =	swait.ge [sflag:s26], $0x100  }
0x1c: {  	[sflag:s26] =	ssyncset.done $0x0  }
0x1d: {  	s28 =	rddreg [dreg:$0x15];
	[sflag:s26] =	ssyncadd.s32 $0xFFFFFF00  }
0x1e: {  	v6 =	vld [tilespmem:s28+$0x0];
	_ =	sdelay $0x4  }
0x1f: {  	(v2sf) =	vpush v6, $0x0;
	_ =	sdelay $0xe  }
0x20: {  	s29 =	rddreg [dreg:$0xd];
	s2 =	spop (v2sf)  }
0x21: {  	s0 =	ssub.s32 s2, s29  }
0x22: {  	p0 =	sgt.s32 s0, $0x0  }
0x23: {  	s0 =	simm.s32 @!p0 $0x0  }
0x24: {  	s0 =	sadd.s32 $0xF, s0  }
0x25: {  	s3 =	sand.u32 $0xF, s0  }
0x26: {  	s4 =	sshra.s32 s0, $0x1F;
	p6 =	slt.s32 s0, $0x0;
	p1 =	sne.s32 s3, $0x0  }
0x27: {  	s30 =	sshrl.u32 s4, $0x1C;
	p0 =	por !p6, !p1  }
0x28: {  	s3 =	simm.s32 $0x1;
	s0 =	sadd.s32 s30, s0;
	p0 =	por !p0, !p0  }
0x29: {  	s0 =	sshra.s32 s0, $0x4;
	s3 =	simm.s32 @!p0 $0x0  }
0x2a: {  	s11 =	ssub.s32 s0, s3  }
0x2b: {  	p0 =	slt.s32 s11, $0x1  }
0x2c: {  	v8 =	vbroadcast @!p0 v6, $0x0  }
0x2d: {  	s0 =	sadd.s32 @!p0 $0xFFFFFFFF, s2  }
0x2e: {  	v7 =	vsub.s32 @!p0 s0, v0;
	vm1 =	vlt.s32 @!p0 v0, v8  }
0x2f: {  	v7 =	vsel @!p0 vm1, v7, v0  }
0x30: {  	v9 =	vadd.s32 @!p0 v1, v7  }
0x31: {  	v10 =	vshll.u32 @!p0 v9, $0x3  }
0x32: {  	v11 =	vlaneseq.u32 @!p0;
	v7 =	vand.u32 @!p0 $0x7, v7;
	v10 =	vand.u32 @!p0 $0xFFFFFFC0, v10  }
0x33: {  	v12 =	vshrl.u32 @!p0 v11, $0x3;
	v7 =	vor.u32 @!p0 v7, v10;
	v10 =	vand.u32 @!p0 $0x7, v11  }
0x34: {  	v12 =	vmul.u32 @!p0 $0x8, v12;
	v10 =	vperm.xlane @!p0 v7, v10;
	_ =	sdelay $0x1  }
0x35: {  	v10 =	vadd.s32 @!p0 v12, v10;
	_ =	sdelay $0x3  }
0x36: {  	s3 =	simm.s32 @!p0 $0x0;
	s4 =	simm.s32 @!p0 $0x900;
	vm1 =	vmmov @!p0 $0xffff;
	[tilespmem:$0x100] =	vst @!p0 v9  }
0x37: {  	v9 =	vor.u32 @!p0 $0x8, v11;
	[tilespmem:s4], [sflag:$0x1] =	stream.indirect_vreg.gather @!p0 [hbm4b:s7+s3], $0x80, v10, vm1, $0xb8;
	[tilespmem:$0x18900] =	vst v63  }
0x38: {  	v7 =	vperm.xlane @!p0 v7, v9;
	s4 =	simm.s32 @!p0 $0x1100  }
0x39: {  	[tilespmem:s4], [sflag:$0x1] =	stream.indirect_vreg.gather @!p0 [hbm4b:s25+s3], $0x80, v10, vm1, $0xb8;
	[tilespmem:$0x18900] =	vst v63  }
0x3a: {  	v7 =	vadd.s32 @!p0 v12, v7;
	s4 =	simm.s32 @!p0 $0x1900  }
0x3b: {  	[tilespmem:s4], [sflag:$0x1] =	stream.indirect_vreg.gather @!p0 [hbm4b:s31+s3], $0x80, v10, vm1, $0xb8;
	[tilespmem:$0x18900] =	vst v63  }
0x3c: {  	p1 =	sgt.u32 @!p0 s11, $0x7F;
	s4 =	simm.s32 @!p0 $0x2100  }
0x3d: {  	[tilespmem:s4], [sflag:$0x1] =	stream.indirect_vreg.gather @!p0 [hbm4b:s14+s3], $0x80, v10, vm1, $0xb8;
	[tilespmem:$0x18900] =	vst v63  }
0x3e: {  	p1 =	por p0, !p1;
	s4 =	simm.s32 @!p0 $0x2900  }
0x3f: {  	[tilespmem:s4], [sflag:$0x1] =	stream.indirect_vreg.gather @!p0 [hbm4b:s7+s3], $0x80, v7, vm1, $0xb8;
	[tilespmem:$0x18900] =	vst v63  }
0x40: {  	p2 =	slt.s32 @p1 s11, $0x2;
	s4 =	simm.s32 @!p0 $0x3100  }
0x41: {  	[tilespmem:s4], [sflag:$0x1] =	stream.indirect_vreg.gather @!p0 [hbm4b:s25+s3], $0x80, v7, vm1, $0xb8;
	[tilespmem:$0x18900] =	vst v63  }
0x42: {  	p2 =	por !p1, !p2;
	s4 =	simm.s32 @!p0 $0x3900  }
0x43: {  	[tilespmem:s4], [sflag:$0x1] =	stream.indirect_vreg.gather @!p0 [hbm4b:s31+s3], $0x80, v7, vm1, $0xb8;
	[tilespmem:$0x18900] =	vst v63  }
.Ltmp0:
0x44: {  	s4 =	simm.s32 @!p0 $0x4100;
	(pc) =	sbr.rel @!p2 .LBB2_3-.Ltmp0, $4  }
0x45: {  	[tilespmem:s4], [sflag:$0x1] =	stream.indirect_vreg.gather @!p0 [hbm4b:s14+s3], $0x80, v7, vm1, $0xb8;
	[tilespmem:$0x18900] =	vst v63  }
0x46: {  	s5 =	rddreg [dreg:$0xf];
	s3 =	sshll.u32 @p1 s9, $0x6  }
0x47: {  	s2 =	sadd.s32 @p1 $0xFFFFFFFF, s2;
	s4 =	sshrl.u32 @p1 s10, $0x3;
	s3 =	sor.u32 @p1 $0x1C07, s3  }
0x48: {  	v6 =	vbroadcast @p1 v6, $0x0;
	v7 =	vmov @p1 s2;
	[spmem:s4], [sflag:s3] =	dma.local @p1 [hbm:s5], $0x800  }
0x49: {  	v9 =	vmov @!p0 s0  }
0x4a: {  	v7 =	vpsel p1, v7, v9;
	v6 =	vpsel p1, v6, v8  }
0x4b: {  	vm1 =	vlt.s32 v2, v6;
	v8 =	vsub.s32 v7, v2  }
0x4c: {  	v8 =	vsel vm1, v8, v2  }
0x4d: {  	v63 =	vadd.s32 v1, v8  }
0x4e: {  	v10 =	vshll.u32 v63, $0x3  }
0x4f: {  	v8 =	vand.u32 $0x7, v8;
	v10 =	vand.u32 $0xFFFFFFC0, v10  }
0x50: {  	v8 =	vor.u32 v8, v10  }
0x51: {  	v10 =	vperm.xlane v8, v3;
	_ =	sdelay $0x1  }
0x52: {  	v10 =	vadd.s32 v4, v10;
	_ =	sdelay $0x3  }
0x53: {  	s21 =	simm.s32 $0x4900;
	[tilespmem:$0x110] =	vst v63  }
0x54: {  	[tilespmem:s21], [sflag:$0x2] =	stream.indirect_vreg.gather [hbm4b:s7+s1], $0x80, v10, vm0, $0xb8;
	[tilespmem:$0x18900] =	vst v63  }
0x55: {  	s22 =	simm.s32 $0x5100;
	v8 =	vperm.xlane v8, v5  }
0x56: {  	[tilespmem:s22], [sflag:$0x2] =	stream.indirect_vreg.gather [hbm4b:s25+s1], $0x80, v10, vm0, $0xb8;
	[tilespmem:$0x18900] =	vst v63  }
0x57: {  	s23 =	simm.s32 $0x5900;
	v8 =	vadd.s32 v4, v8  }
0x58: {  	[tilespmem:s23], [sflag:$0x2] =	stream.indirect_vreg.gather [hbm4b:s31+s1], $0x80, v10, vm0, $0xb8;
	[tilespmem:$0x18900] =	vst v63  }
0x59: {  	s24 =	simm.s32 $0x6100  }
0x5a: {  	[tilespmem:s24], [sflag:$0x2] =	stream.indirect_vreg.gather [hbm4b:s14+s1], $0x80, v10, vm0, $0xb8;
	[tilespmem:$0x18900] =	vst v63  }
0x5b: {  	s26 =	simm.s32 $0x6900  }
0x5c: {  	[tilespmem:s26], [sflag:$0x2] =	stream.indirect_vreg.gather [hbm4b:s7+s1], $0x80, v8, vm0, $0xb8;
	[tilespmem:$0x18900] =	vst v63  }
0x5d: {  	s28 =	simm.s32 $0x7100;
	p0 =	sgt.u32 s11, $0x7E  }
0x5e: {  	[tilespmem:s28], [sflag:$0x2] =	stream.indirect_vreg.gather [hbm4b:s25+s1], $0x80, v8, vm0, $0xb8;
	[tilespmem:$0x18900] =	vst v63  }
.Ltmp1:
0x5f: {  	_ = 	snop;
	(pc) =	sbr.rel @p0 .LBB2_4-.Ltmp1, $4  }
0x60: {  	s29 =	simm.s32 $0x7900  }
0x61: {  	[tilespmem:s29], [sflag:$0x2] =	stream.indirect_vreg.gather [hbm4b:s31+s1], $0x80, v8, vm0, $0xb8;
	[tilespmem:$0x18900] =	vst v63  }
0x62: {  	s30 =	simm.s32 $0x8100  }
0x63: {  	[tilespmem:s30], [sflag:$0x2] =	stream.indirect_vreg.gather [hbm4b:s14+s1], $0x80, v8, vm0, $0xb8;
	[tilespmem:$0x18900] =	vst v63  }
.LBB2_3:
0x64: {  	s0 =	sshll.u32 s9, $0x6;
	s1 =	rddreg [dreg:$0x10]  }
0x65: {  	s2 =	rddreg [dreg:$0x16];
	s0 =	sor.u32 $0x1C08, s0  }
0x66: {  	[spmem:s2], [sflag:s0] =	dma.local [hbm:s1], $0x800  }
.LBB2_4:
0x67: {  	p0 =	slt.s32 s11, $0x80;
	s12 =	smov.u32 s11;
	s2 =	rddreg [dreg:$0x14]  }
0x68: {  	s3 =	simm.s32 $0x2;
	s6 =	simm.s32 $0x120;
	[dreg:$0x9] =	wrdreg s11  }
0x69: {  	s19 =	simm.s32 $0x0;
	p5 =	sle.s32 s11, $0x0;
	s1 =	rddreg [dreg:$0x12]  }
0x6a: {  	s20 =	simm.s32 $0x10000;
	s22 =	simm.s32 $0x4;
	s13 =	rddreg [dreg:$0x5]  }
0x6b: {  	s0 =	simm.s32 @!p0 $0x0;
	s12 =	simm.s32 @!p0 $0x80;
	s3 =	smulhi.u32 $0xAAAAAAAB, s3  }
0x6c: {  	s21 =	sadd.s32 $0x10, s2;
	s4 =	smul.u32 @!p5 $0xAB, s19;
	s11 =	simm.s32 @!p5 $0x0  }
0x6d: {  	s0 =	simm.s32 @p0 $0x1;
	s15 =	ssub.s32 $0x80, s12;
	[dreg:$0x7] =	wrdreg s12  }
0x6e: {  	p0 =	por $0x1, $0x1;
	p1 =	sle.s32 s12, $0x2;
	[smem:$0x7FD] =	sst s0  }
0x6f: {  	s0 =	simm.s32 $0xFFFFFFFF;
	p4 =	sle.u32 s15, $0x0;
	p2 =	slt.s32 @!p0 s12, $0x0  }
0x70: {  	s4 =	sshrl.u32 @!p5 s4, $0x9;
	s5 =	sshrl.u32 s3, $0x1;
	[dreg:$0x8] =	wrdreg s15  }
0x71: {  	s3 =	sshrl.u32 @!p4 s1, $0x3;
	s4 =	sand.u32 @!p5 $0x7F, s4;
	s12 =	smul.u32 @!p4 $0xAB, s19  }
0x72: {  	p3 =	por p2, p0;
	p0 =	sle.u32 s15, $0xFFFFFFFF;
	s30 =	smul.u32 $0xFFFD0000, s5  }
0x73: {  	p2 =	sle.u32 s15, $0x2;
	s18 =	sshll.u32 @!p4 s9, $0x6;
	s26 =	smul.u32 $0xFFFFFFF4, s5  }
0x74: {  	s3 =	sadd.s32 @!p4 s8, s3;
	s4 =	smul.u32 @!p5 $0x3, s4;
	s14 =	simm.s32 @!p3 $0xFFFFFFFF  }
0x75: {  	s0 =	smulhi.u32 @!p0 $0x55555556, s0;
	s16 =	simm.s32 @!p0 $0xFFFFFFFF;
	s12 =	sshrl.u32 @!p4 s12, $0x9  }
0x76: {  	s14 =	sand.u32 @!p3 $0xFF, s14;
	s16 =	smul.u32 @!p0 $0x55555556, s16;
	s4 =	ssub.s32 @!p5 $0x0, s4  }
0x77: {  	s12 =	sand.u32 @!p4 $0x7F, s12;
	s14 =	smul.u32 @!p3 $0xAB, s14;
	s4 =	sand.u32 @!p5 $0xFF, s4  }
0x78: {  	s12 =	smul.u32 @!p4 $0x3, s12;
	s0 =	sadd.s32 @!p0 s16, s0;
	s15 =	sadd.s32 @!p5 $0x1, s4  }
0x79: {  	s17 =	sor.u32 @!p5 $0x4, s4;
	s4 =	sshll.u32 @!p5 s4, $0xE;
	s14 =	sshrl.u32 @!p3 s14, $0x9  }
0x7a: {  	s24 =	sshrl.u32 @!p0 s0, $0x1F;
	s12 =	ssub.s32 @!p4 $0x0, s12;
	s14 =	smul.u32 @!p3 $0x3, s14  }
0x7b: {  	s4 =	sor.u32 @!p5 $0x900, s4;
	s0 =	sadd.s32 @!p0 s24, s0;
	_ =	swait.ge @!p5 [sflag:s15], $0x4000  }
0x7c: {  	s24 =	sshra.s32 s30, $0x2;
	s30 =	sshra.s32 s26, $0x2;
	s26 =	simm.s32 $0x3  }
0x7d: {  	v8 =	vlaneseq.u32 @!p1;
	s12 =	sand.u32 @!p4 $0xFF, s12;
	s0 =	smul.u32 @!p0 $0x3, s0;
	[sflag:s15] =	ssyncset.done @!p5 $0x0  }
0x7e: {  	v9 =	vor.u32 @!p1 s2, v8;
	s2 =	rddreg [dreg:$0x13];
	s13 =	sadd.s32 s24, s13;
	s23 =	sadd.s32 @!p4 $0x7, s12  }
0x7f: {  	s14 =	ssub.s32 @!p3 $0xFFFFFFFF, s14;
	s18 =	sadd.s32 @!p4 s18, s12;
	s12 =	sshll.u32 @!p4 s12, $0xE  }
0x80: {  	[sflag:s15] =	ssyncadd.s32 @!p5 $0xFFFFC000;
	s15 =	sor.u32 $0x900, s24;
	s28 =	sadd.s32 @!p2 $0x0, s13  }
0x81: {  	s13 =	sadd.s32 $0x3, s30;
	s14 =	sor.u32 @!p3 $0x4, s14;
	s12 =	sadd.s32 @!p4 s12, s10  }
0x82: {  	vm1 =	vlt.s32 @!p1 v9, v6;
	v10 =	vsub.s32 @!p1 v7, v9;
	[hbm4b:s2+s11] =	stream.linear.scatter @!p5 [tilespmem:s4], [sflag:s17], $0x4000, $0x38;
	[tilespmem:$0x18900] =	vst v63  }
0x83: {  	v9 =	vsel @!p1 vm1, v10, v9;
	s18 =	sadd.s32 @!p4 $0x1C0A, s18;
	s0 =	ssub.s32 @!p0 $0xFFFFFFFF, s0;
	s15 =	sadd.s32 @!p1 $0x0, s15  }
0x84: {  	v10 =	vadd.s32 @!p1 v1, v9;
	s12 =	sshrl.u32 @!p4 s12, $0x3;
	_ =	swait.ge @!p4 [sflag:s23], $0x800;
	s11 =	sadd.s32 @!p0 $0x3, s0  }
0x85: {  	v11 =	vshll.u32 @!p1 v10, $0x3;
	s14 =	sand.u32 @!p3 $0xFF, s14;
	p5 =	slt.s32 @!p0 s0, $0x0;
	[sflag:s23] =	ssyncset.done @!p4 $0x0  }
0x86: {  	v9 =	vand.u32 @!p1 $0x7, v9;
	v11 =	vand.u32 @!p1 $0xFFFFFFC0, v11;
	s24 =	sadd.s32 @!p1 $0x8800, s15;
	s16 =	sadd.s32 @!p1 $0x9800, s15;
	[sflag:s23] =	ssyncadd.s32 @!p4 $0xFFFFF800  }
0x87: {  	v12 =	vand.u32 @!p1 $0x7, v8;
	v13 =	vshrl.u32 @!p1 v8, $0x3;
	v11 =	vor.u32 @!p1 v9, v11;
	[hbm:s3], [sflag:s18] =	dma.local @!p4 [spmem:s12], $0x800  }
0x88: {  	v13 =	vmul.u32 @!p1 $0x8, v13;
	v9 =	vperm.xlane @!p1 v11, v12;
	s4 =	sadd.s32 @!p1 $0xA000, s15;
	p4 =	por !p5, p0;
	_ =	swait.ge @!p3 [sflag:s14], $0x4000  }
0x89: {  	s17 =	sadd.s32 @!p1 $0xB000, s15;
	s11 =	smov.u32 @p4 s0;
	[sflag:s14] =	ssyncset.done @!p3 $0x0  }
0x8a: {  	v9 =	vadd.s32 @!p1 v13, v9;
	s5 =	sadd.s32 @!p1 $0xB800, s15;
	s0 =	sadd.s32 @!p0 $0xA, s11;
	[sflag:s14] =	ssyncadd.s32 @!p3 $0xFFFFC000  }
0x8b: {  	s23 =	sadd.s32 @!p1 $0x8000, s15;
	s18 =	sadd.s32 @!p1 $0x9000, s15;
	_ =	swait.ge @!p0 [sflag:s0], $0x800  }
0x8c: {  	s12 =	sadd.s32 @!p1 $0xA800, s15;
	s3 =	simm.s32 @!p1 $0x0;
	[sflag:s0] =	ssyncset.done @!p0 $0x0  }
0x8d: {  	s15 =	smov.u32 s2;
	[sflag:s0] =	ssyncadd.s32 @!p0 $0xFFFFF800;
	s0 =	sadd.s32 @!p2 $0xFFFF8000, s1  }
0x8e: {  	vm1 =	vmmov @!p1 $0xffff;
	s11 =	sshll.u32 @!p2 s9, $0x6;
	[tilespmem:s6+$0x0] =	vst @!p1 v10;
	s0 =	sshrl.u32 @!p2 s0, $0x3;
	s6 =	sadd.s32 $0x9, s30  }
0x8f: {  	v8 =	vor.u32 @!p1 $0x8, v8;
	[tilespmem:s23], [sflag:s13] =	stream.indirect_vreg.gather @!p1 [hbm4b:s7+s3], $0x80, v9, vm1, $0xb8;
	[tilespmem:$0x18900] =	vst v63  }
0x90: {  	v8 =	vperm.xlane @!p1 v11, v8;
	s14 =	smov.u32 s1;
	s29 =	sadd.s32 @!p2 s7, s0;
	s0 =	sadd.s32 @!p2 s6, s11  }
0x91: {  	[tilespmem:s24], [sflag:s13] =	stream.indirect_vreg.gather @!p1 [hbm4b:s25+s3], $0x80, v9, vm1, $0xb8;
	[tilespmem:$0x18900] =	vst v63  }
0x92: {  	v8 =	vadd.s32 @!p1 v13, v8;
	s23 =	simm.s32 $0x130;
	s0 =	sadd.s32 @!p2 $0x1C00, s0;
	s24 =	simm.s32 $0xA  }
.LBB2_5:
0x93: {  	s14 =	sadd.s32 $0xFFFFC000, s14;
	s15 =	sadd.s32 $0x800, s15  }
0x94: {  	s11 =	smov.u32 s20;
	s20 =	sadd.s32 $0x10000, s20;
	s10 =	smov.u32 s21  }
0x95: {  	[tilespmem:s18], [sflag:s13] =	stream.indirect_vreg.gather @!p1 [hbm4b:s31+s3], $0x80, v9, vm1, $0xb8;
	[tilespmem:$0x18900] =	vst v63  }
0x96: {  	s1 =	smov.u32 s22;
	s18 =	smov.u32 s19;
	s6 =	rddreg [dreg:$0x6]  }
0x97: {  	s2 =	smov.u32 s23;
	s21 =	sadd.s32 $0x10, s21;
	[dreg:$0xb] =	wrdreg s1  }
0x98: {  	s22 =	sadd.s32 $0x1, s22;
	s19 =	sadd.s32 $0x1, s19;
	[dreg:$0xc] =	wrdreg s2  }
0x99: {  	s23 =	sadd.s32 $0x10, s23;
	p3 =	sne.s32 s20, $0x800000;
	s2 =	rddreg [dreg:$0x8]  }
0x9a: {  	[tilespmem:s16], [sflag:s13] =	stream.indirect_vreg.gather @!p1 [hbm4b:s6+s3], $0x80, v9, vm1, $0xb8;
	[tilespmem:$0x18900] =	vst v63  }
0x9b: {  	s30 =	sadd.s32 $0x3, s18;
	p4 =	seq.s32 s11, $0x0;
	s1 =	rddreg [dreg:$0x7]  }
0x9c: {  	[tilespmem:s4], [sflag:s13] =	stream.indirect_vreg.gather @!p1 [hbm4b:s7+s3], $0x80, v8, vm1, $0xb8;
	[tilespmem:$0x18900] =	vst v63  }
0x9d: {  	s16 =	smulhi.u32 $0xAAAAAAAB, s26;
	p5 =	sge.u32 s19, s2;
	p6 =	sgt.s32 @!p4 s19, s1  }
0x9e: {  	[tilespmem:s12], [sflag:s13] =	stream.indirect_vreg.gather @!p1 [hbm4b:s25+s3], $0x80, v8, vm1, $0xb8;
	[tilespmem:$0x18900] =	vst v63  }
0x9f: {  	s26 =	sadd.s32 $0x1, s26;
	p6 =	por p6, p4;
	s4 =	rddreg [dreg:$0x9]  }
0xa0: {  	[tilespmem:s17], [sflag:s13] =	stream.indirect_vreg.gather @!p1 [hbm4b:s31+s3], $0x80, v8, vm1, $0xb8;
	[tilespmem:$0x18900] =	vst v63  }
0xa1: {  	p4 =	sge.u32 s18, s2;
	p0 =	sle.s32 s4, s19;
	s12 =	sshrl.u32 @!p2 s28, $0x3  }
0xa2: {  	[tilespmem:s5], [sflag:s13] =	stream.indirect_vreg.gather @!p1 [hbm4b:s6+s3], $0x80, v8, vm1, $0xb8;
	[tilespmem:$0x18900] =	vst v63  }
0xa3: {  	s4 =	simm.s32 @!p0 $0x0;
	s17 =	smul.u32 @!p0 $0xAB, s19;
	s13 =	sshrl.u32 s16, $0x1  }
0xa4: {  	s3 =	sshrl.u32 @!p5 s14, $0x3;
	p1 =	sge.s32 s30, s1;
	s16 =	sadd.s32 @!p6 $0xFFFFFFFF, s19  }
0xa5: {  	s6 =	smov.u32 s31;
	s31 =	smov.u32 s7;
	s7 =	sshll.u32 @!p5 s9, $0x6  }
0xa6: {  	[spmem:s12], [sflag:s0] =	dma.local @!p2 [hbm:s29], $0x800  }
0xa7: {  	s0 =	sshrl.u32 @!p0 s17, $0x9;
	s5 =	sadd.s32 @!p5 s8, s3;
	s3 =	smul.u32 @!p5 $0xAB, s19;
	v8 =	vlaneseq.u32 @!p1  }
0xa8: {  	p2 =	sge.u32 s30, s2;
	s17 =	sand.u32 @!p6 $0xFF, s16;
	v9 =	vor.u32 @!p1 s10, v8;
	s10 =	smulhi.u32 @!p4 $0x55555556, s18  }
0xa9: {  	s30 =	sshra.s32 @!p4 s18, $0x1F;
	s2 =	smov.u32 s8;
	s17 =	smul.u32 @!p6 $0xAB, s17  }
0xaa: {  	s0 =	sand.u32 @!p0 $0x7F, s0;
	s12 =	rddreg [dreg:$0x5];
	s30 =	smul.u32 @!p4 $0x55555556, s30  }
0xab: {  	s28 =	sshra.s32 @!p2 s11, $0x2;
	s0 =	smul.u32 @!p0 $0x3, s0;
	s3 =	sshrl.u32 @!p5 s3, $0x9  }
0xac: {  	s3 =	sand.u32 @!p5 $0x7F, s3;
	s10 =	sadd.s32 @!p4 s30, s10;
	s30 =	smul.u32 $0xFFFD0000, s13  }
0xad: {  	s11 =	sshra.s32 @!p1 s11, $0x2;
	s17 =	sshrl.u32 @!p6 s17, $0x9;
	s3 =	smul.u32 @!p5 $0x3, s3  }
0xae: {  	s0 =	ssub.s32 @!p0 s19, s0;
	s17 =	smul.u32 @!p6 $0x3, s17;
	s9 =	sshrl.u32 @!p4 s10, $0x1F  }
0xaf: {  	s0 =	sand.u32 @!p0 $0xFF, s0;
	s9 =	sadd.s32 @!p4 s9, s10;
	s30 =	sshra.s32 s30, $0x2  }
0xb0: {  	s29 =	sadd.s32 @!p0 $0x1, s0;
	s1 =	sor.u32 @!p0 $0x4, s0;
	s0 =	sshll.u32 @!p0 s0, $0xE  }
0xb1: {  	s3 =	ssub.s32 @!p5 s19, s3;
	s16 =	ssub.s32 @!p6 s16, s17;
	s9 =	smul.u32 @!p4 $0x3, s9  }
0xb2: {  	s3 =	sand.u32 @!p5 $0xFF, s3;
	s0 =	sor.u32 @!p0 $0x900, s0;
	s10 =	sor.u32 @!p6 $0x4, s16  }
0xb3: {  	_ =	swait.ge @!p0 [sflag:s29], $0x4000;
	s8 =	sadd.s32 @!p5 $0x7, s3;
	s7 =	sadd.s32 @!p5 s7, s3  }
0xb4: {  	s3 =	sshll.u32 @!p5 s3, $0xE;
	s16 =	rddreg [dreg:$0xa];
	[sflag:s29] =	ssyncset.done @!p0 $0x0  }
0xb5: {  	s9 =	ssub.s32 @!p4 s18, s9;
	s10 =	sand.u32 @!p6 $0xFF, s10;
	s3 =	sadd.s32 @!p5 s3, s16  }
0xb6: {  	s7 =	sadd.s32 @!p5 $0x1C0A, s7;
	[sflag:s29] =	ssyncadd.s32 @!p0 $0xFFFFC000;
	s3 =	sshrl.u32 @!p5 s3, $0x3  }
0xb7: {  	[hbm4b:s15+s4] =	stream.linear.scatter @!p0 [tilespmem:s0], [sflag:s1], $0x4000, $0x38;
	[tilespmem:$0x18900] =	vst v63  }
0xb8: {  	s1 =	sadd.s32 @!p4 $0x3, s9;
	s4 =	sor.u32 $0x900, s30;
	p0 =	slt.s32 @!p4 s9, $0x0  }
0xb9: {  	s0 =	sadd.s32 s30, s12;
	_ =	swait.ge @!p5 [sflag:s8], $0x800;
	s11 =	sadd.s32 @!p1 s11, s4  }
0xba: {  	vm1 =	vlt.s32 @!p1 v9, v6;
	v12 =	vsub.s32 @!p1 v7, v9;
	p0 =	por !p0, p4;
	s28 =	sadd.s32 @!p2 s28, s0;
	[sflag:s8] =	ssyncset.done @!p5 $0x0  }
0xbb: {  	v9 =	vsel @!p1 vm1, v12, v9;
	s30 =	sadd.s32 @!p1 $0x8800, s11;
	s18 =	sadd.s32 @!p1 $0x9000, s11;
	s16 =	sadd.s32 @!p1 $0x9800, s11  }
0xbc: {  	v12 =	vadd.s32 @!p1 v1, v9;
	s1 =	smov.u32 @p0 s9;
	s9 =	stileid.u32;
	s4 =	sadd.s32 @!p1 $0xA000, s11  }
0xbd: {  	v13 =	vshll.u32 @!p1 v12, $0x3;
	s12 =	sadd.s32 @!p1 $0xA800, s11;
	s17 =	sadd.s32 @!p1 $0xB000, s11;
	[sflag:s8] =	ssyncadd.s32 @!p5 $0xFFFFF800  }
0xbe: {  	v9 =	vand.u32 @!p1 $0x7, v9;
	v13 =	vand.u32 @!p1 $0xFFFFFFC0, v13;
	[hbm:s5], [sflag:s7] =	dma.local @!p5 [spmem:s3], $0x800  }
0xbf: {  	v10 =	vand.u32 @!p1 $0x7, v8;
	v11 =	vshrl.u32 @!p1 v8, $0x3;
	v9 =	vor.u32 @!p1 v9, v13;
	s8 =	sadd.s32 @!p1 $0x8000, s11;
	s5 =	sadd.s32 @!p1 $0xB800, s11;
	_ =	swait.ge @!p6 [sflag:s10], $0x4000  }
0xc0: {  	v11 =	vmul.u32 @!p1 $0x8, v11;
	v10 =	vperm.xlane @!p1 v9, v10;
	s11 =	smul.u32 $0xFFFFFFF4, s13;
	s3 =	sadd.s32 @!p2 $0xFFFF8000, s14;
	[sflag:s10] =	ssyncset.done @!p6 $0x0  }
0xc1: {  	v8 =	vor.u32 @!p1 $0x8, v8;
	s1 =	sadd.s32 @!p4 $0xA, s1;
	s3 =	sshrl.u32 @!p2 s3, $0x3;
	[sflag:s10] =	ssyncadd.s32 @!p6 $0xFFFFC000  }
0xc2: {  	v8 =	vperm.xlane @!p1 v9, v8;
	v9 =	vadd.s32 @!p1 v11, v10;
	s0 =	sshra.s32 s11, $0x2;
	s29 =	sadd.s32 @!p2 s31, s3;
	_ =	swait.ge @!p4 [sflag:s1], $0x800  }
0xc3: {  	s3 =	simm.s32 @!p1 $0x0;
	s7 =	sadd.s32 s0, s24;
	[sflag:s1] =	ssyncset.done @!p4 $0x0  }
0xc4: {  	s13 =	rddreg [dreg:$0xb];
	[sflag:s1] =	ssyncadd.s32 @!p4 $0xFFFFF800;
	s1 =	sshll.u32 @!p2 s9, $0x6  }
.Ltmp2:
0xc5: {  	s13 =	sadd.s32 s0, s13;
	s0 =	rddreg [dreg:$0xc];
	(pc) =	sbr.rel @p3 .LBB2_5-.Ltmp2, $4  }
0xc6: {  	vm1 =	vmmov @!p1 $0xffff;
	s24 =	sadd.s32 $0x1, s24;
	[tilespmem:s0+$0x0] =	vst @!p1 v12;
	s0 =	sadd.s32 @!p2 s7, s1;
	s7 =	smov.u32 s31  }
0xc7: {  	[tilespmem:s8], [sflag:s13] =	stream.indirect_vreg.gather @!p1 [hbm4b:s7+s3], $0x80, v9, vm1, $0xb8;
	[tilespmem:$0x18900] =	vst v63  }
0xc8: {  	s31 =	smov.u32 s6;
	s8 =	smov.u32 s2;
	s0 =	sadd.s32 @!p2 $0x1C00, s0  }
0xc9: {  	v8 =	vadd.s32 @!p1 v11, v8;
	[tilespmem:s30], [sflag:s13] =	stream.indirect_vreg.gather @!p1 [hbm4b:s25+s3], $0x80, v9, vm1, $0xb8;
	[tilespmem:$0x18900] =	vst v63  }
0xca: {  	_ =	sdelay $0x3  }
0xcb: {  	[tilespmem:s18], [sflag:s13] =	stream.indirect_vreg.gather @!p1 [hbm4b:s31+s3], $0x80, v9, vm1, $0xb8;
	[tilespmem:$0x18900] =	vst v63  }
0xcc: {  	s14 =	rddreg [dreg:$0x6]  }
0xcd: {  	[tilespmem:s16], [sflag:s13] =	stream.indirect_vreg.gather @!p1 [hbm4b:s14+s3], $0x80, v9, vm1, $0xb8;
	[tilespmem:$0x18900] =	vst v63  }
0xce: {  	_ = 	snop  }
0xcf: {  	[tilespmem:s4], [sflag:s13] =	stream.indirect_vreg.gather @!p1 [hbm4b:s7+s3], $0x80, v8, vm1, $0xb8;
	[tilespmem:$0x18900] =	vst v63  }
0xd0: {  	_ = 	snop  }
0xd1: {  	[tilespmem:s12], [sflag:s13] =	stream.indirect_vreg.gather @!p1 [hbm4b:s25+s3], $0x80, v8, vm1, $0xb8;
	[tilespmem:$0x18900] =	vst v63  }
0xd2: {  	_ = 	snop  }
0xd3: {  	[tilespmem:s17], [sflag:s13] =	stream.indirect_vreg.gather @!p1 [hbm4b:s31+s3], $0x80, v8, vm1, $0xb8;
	[tilespmem:$0x18900] =	vst v63  }
0xd4: {  	s1 =	sshrl.u32 @!p2 s28, $0x3  }
0xd5: {  	[tilespmem:s5], [sflag:s13] =	stream.indirect_vreg.gather @!p1 [hbm4b:s14+s3], $0x80, v8, vm1, $0xb8;
	[tilespmem:$0x18900] =	vst v63  }
0xd6: {  	[spmem:s1], [sflag:s0] =	dma.local @!p2 [hbm:s29], $0x800  }
0xd7: {  	s0 =	sld [smem:$0x7FD];
	_ =	sdelay $0x2  }
0xd8: {  	p1 =	seq.s32 s0, $0x1;
	s0 =	rddreg [dreg:$0x9]  }
0xd9: {  	p0 =	sgt.s32 @p1 s0, $0x0  }
0xda: {  	p0 =	por p0, !p1  }
0xdb: {  	s0 =	simm.s32 @!p0 $0xB  }
0xdc: {  	_ =	swait.ge @!p0 [sflag:s0], $0x800  }
0xdd: {  	[sflag:s0] =	ssyncset.done @!p0 $0x0  }
0xde: {  	[sflag:s0] =	ssyncadd.s32 @!p0 $0xFFFFF800;
	s0 =	simm.s32 @!p1 $0x5  }
0xdf: {  	_ =	swait.ge @!p1 [sflag:s0], $0x4000  }
0xe0: {  	s2 =	rddreg [dreg:$0x17]  }
0xe1: {  	s30 =	rddreg [dreg:$0x11];
	s2 =	sadd.s32 $0x1, s2  }
0xe2: {  	p0 =	sne.s32 s2, s30  }
.Ltmp3:
0xe3: {  	_ = 	snop;
	(pc) =	sbr.rel @p0 .LBB2_1-.Ltmp3, $3  }
0xe4: {  	_ =	sdelay $0x1  }
0xe5: {  	[sflag:s0] =	ssyncset.done @!p1 $0x0  }
0xe6: {  	s1 =	simm.s32 $0x0;
	s10 =	rddreg [dreg:$0xa];
	[sflag:s0] =	ssyncadd.s32 @!p1 $0xFFFFC000  }
0xe7: {  	_ =	sfence.sel $0x180000  }
0xe8: {  	[bflag:$0x0] =	sbarrier.arrive $0xFFFF  }
0xe9: {  	_ =	strace $0x90000047  }
0xea: {  	[bflag:$0x2] =	sbarrier.arrive $0xFFFF  }
0xeb: {  	p0 =	sne.s32 s9, $0x0;
	s0 =	rddreg [dreg:$0x4]  }
0xec: {  	s0 =	sadd.s32 @!p0 $0x100000, s0  }
0xed: {  	[sflag:s0] =	ssyncadd.tile.s32 @!p0 $0x1;
	_ =	shalt  }
.Lfunc_end2:
_tile_overlayer_lowered:
.L_overlay_start_2:
0xee: {  	(tag) =	ssettag $0x2  }
0xef: {  	s0 =	rddreg [dreg:$0x0];
	s2 =	stileid.u32  }
0xf0: {  	s1 =	rddreg [dreg:$0x1];
	p0 =	sne.s32 s2, $0x0  }
0xf1: {  	s3 =	rddreg [dreg:$0x2];
	[bflag:$0x3] =	sbarrier.arrive $0xFFFF;
	s2 =	simm.s32 @!p0 $0x1C0D  }
0xf2: {  	[timem:s3], [sflag:s2] =	dma.local @!p0 [hbm:s0], s1  }
0xf3: {  	s0 =	simm.s32 @!p0 $0xD  }
0xf4: {  	_ =	swait.ge @!p0 [sflag:s0], s1  }
0xf5: {  	s1 =	ssub.s32 @!p0 $0x0, s1;
	[sflag:s0] =	ssyncset.done @!p0 $0x0  }
0xf6: {  	[sflag:s0] =	ssyncadd.s32 @!p0 s1  }
0xf7: {  	[bflag:$0x3] =	sbarrier.arrive $0xFFFF  }
0xf8: {  	_ =	shalt  }

</sc_bundles>
